<compile_context>
chip_gen: v7x
topology: tpu7x:2x2x1
jax: 0.10.2.dev20260603
libtpu: 0.0.44.dev20260713+nightly
codegen_flags: <defaults>
</compile_context>

<pallas_src>
import functools

import jax
import jax.numpy as jnp
from jax import lax
from jax.experimental import pallas as pl
from jax.experimental.pallas import tpu as pltpu
from jax.experimental.pallas import tpu_sc as plsc

OUT_DIM = 64
NROWS = 128
PAIR_ROWS = 114 * 128
PAIR_BLK = PAIR_ROWS // 8
IDX_BLK = 512


def _tile_attrs(t):
    red = (t == 0) | (t == 10) | (t == 20)
    tm1 = t - 1 - jnp.where(t > 10, 1, 0) - jnp.where(t > 20, 1, 0)
    t34 = jnp.where(t == 0, 4,
          jnp.where(t == 10, 13,
          jnp.where(t == 20, 22,
          jnp.where(t >= 37, 34, tm1))))
    return red, t34


def _canonical_table(t34r, sur, rkr, hkr, redr, clsr, dorr, pwr, pbr, gr, br):
    i = lax.broadcasted_iota(jnp.int32, (NROWS, 1), 0)
    t = jnp.minimum(i // 3, 37)
    d = i % 3
    red, t34 = _tile_attrs(t)
    su = jnp.where(t34 == 34, 4,
         jnp.where(t34 <= 8, 0,
         jnp.where(t34 <= 17, 1,
         jnp.where(t34 <= 26, 2, 3))))
    rk26 = t34 - su * 9
    rk = jnp.where(t34 <= 26, rk26, jnp.where(t34 <= 33, 9, 10))
    hk = jnp.where(t34 <= 26, 7, jnp.where(t34 <= 33, t34 - 27, 8))
    rf = jnp.where(t >= 37, 2, jnp.where(red, 1, 0))
    tc = jnp.where(t34 <= 26, jnp.where((rk26 == 0) | (rk26 == 8), 1, 0),
         jnp.where(t34 <= 30, 2, jnp.where(t34 <= 33, 3, 4)))

    def sel(attr, emb_ref):
        vocab = emb_ref.shape[0]
        col = lax.broadcasted_iota(jnp.int32, (NROWS, vocab), 1)
        onehot = (col == attr).astype(jnp.float32)
        return jnp.dot(onehot, emb_ref[...], preferred_element_type=jnp.float32)

    parts = jnp.concatenate([
        sel(t34, t34r), sel(su, sur), sel(rk, rkr), sel(hk, hkr),
        sel(rf, redr), sel(tc, clsr), sel(d, dorr)], axis=1)
    h = jnp.dot(parts, pwr[...], preferred_element_type=jnp.float32) + pbr[...]
    mu = jnp.mean(h, axis=1, keepdims=True)
    xm = h - mu
    var = jnp.mean(xm * xm, axis=1, keepdims=True)
    return xm * lax.rsqrt(var + 1e-5) * gr[...] + br[...]


def _pair_table_body(t34r, sur, rkr, hkr, redr, clsr, dorr, pwr, pbr, gr, br,
                     out_ref):
    table = _canonical_table(t34r, sur, rkr, hkr, redr, clsr, dorr,
                             pwr, pbr, gr, br)
    base = pl.program_id(0) * PAIR_BLK
    i = base + lax.broadcasted_iota(jnp.int32, (PAIR_BLK, 1), 0)
    a = lax.shift_right_logical(i, 7)
    b = jnp.bitwise_and(i, 127)
    col = lax.broadcasted_iota(jnp.int32, (PAIR_BLK, NROWS), 1)
    left = jnp.dot((col == a).astype(jnp.float32), table,
                   preferred_element_type=jnp.float32)
    right = jnp.dot((col == b).astype(jnp.float32), table,
                    preferred_element_type=jnp.float32)
    out_ref[...] = jnp.concatenate([left, right], axis=1)


def _build_pair_table(emb_t34, emb_suit, emb_rank, emb_honor, emb_red,
                      emb_cls, emb_dora, proj_w, proj_b, ln_g, ln_b):
    full = lambda shape: pl.BlockSpec(shape, lambda i: (0, 0))
    return pl.pallas_call(
        _pair_table_body,
        grid=(8,),
        in_specs=[full(emb_t34.shape), full(emb_suit.shape),
                  full(emb_rank.shape), full(emb_honor.shape),
                  full(emb_red.shape), full(emb_cls.shape),
                  full(emb_dora.shape), full(proj_w.shape),
                  full((1, OUT_DIM)), full((1, OUT_DIM)), full((1, OUT_DIM))],
        out_specs=pl.BlockSpec((PAIR_BLK, 2 * OUT_DIM), lambda i: (i, 0)),
        out_shape=jax.ShapeDtypeStruct((PAIR_ROWS, 2 * OUT_DIM), jnp.float32),
    )(emb_t34, emb_suit, emb_rank, emb_honor, emb_red, emb_cls, emb_dora,
      proj_w, proj_b.reshape(1, OUT_DIM), ln_g.reshape(1, OUT_DIM),
      ln_b.reshape(1, OUT_DIM))


def _pair_index_body(L, t37r, dorar, out_ref):
    t = t37r[...]
    red, t34 = _tile_attrs(t)
    mem = (t34 == dorar[:, 0:1]) | (t34 == dorar[:, 1:2]) | \
          (t34 == dorar[:, 2:3]) | (t34 == dorar[:, 3:4])
    idx = jnp.where(t == 37, 2, jnp.where(red | mem, 0, 1)) + t * 3
    idxf = idx.astype(jnp.float32)
    P = L // 2
    row = lax.broadcasted_iota(jnp.int32, (L, P), 0)
    colp = lax.broadcasted_iota(jnp.int32, (L, P), 1)
    sel_e = (row == 2 * colp).astype(jnp.float32)
    sel_o = (row == 2 * colp + 1).astype(jnp.float32)
    e = jnp.dot(idxf, sel_e, preferred_element_type=jnp.float32)
    o = jnp.dot(idxf, sel_o, preferred_element_type=jnp.float32)
    out_ref[...] = (e * 128.0 + o).astype(jnp.int32)


def _pair_indices(tile37, dora_tile34, B, L):
    P = L // 2
    return pl.pallas_call(
        functools.partial(_pair_index_body, L),
        grid=(B // IDX_BLK,),
        in_specs=[pl.BlockSpec((IDX_BLK, L), lambda i: (i, 0)),
                  pl.BlockSpec((IDX_BLK, 4), lambda i: (i, 0))],
        out_specs=pl.BlockSpec((IDX_BLK, P), lambda i: (i, 0)),
        out_shape=jax.ShapeDtypeStruct((B, P), jnp.int32),
    )(tile37, dora_tile34).reshape(B * P)


def _sc_embed(pidx, table2, B, L):
    P = L // 2
    info = plsc.get_sparse_core_info()
    nc, ns = info.num_cores, info.num_subcores
    nw = nc * ns
    rpw = B // nw
    unit = 2 * P
    lp = ((unit + 15) // 16) * 16
    n_a = min(128, unit)
    n_b = unit - n_a
    nbuf = 4
    nunits = rpw // 2
    mesh = plsc.VectorSubcoreMesh(core_axis_name="c", subcore_axis_name="s")

    @functools.partial(
        pl.kernel,
        out_type=jax.ShapeDtypeStruct((B * P, 2 * OUT_DIM), jnp.float32),
        mesh=mesh,
        scratch_types=[
            pltpu.VMEM((rpw * P,), jnp.int32),
            *[pltpu.VMEM((unit, 2 * OUT_DIM), jnp.float32)
              for _ in range(nbuf)],
            *[pltpu.SemaphoreType.DMA for _ in range(3 * nbuf)],
        ],
    )
    def k(pidx_hbm, table_hbm, out_hbm, idx_v,
          rows0, rows1, rows2, rows3,
          ga0, gb0, ss0, ga1, gb1, ss1, ga2, gb2, ss2, ga3, gb3, ss3):
        wid = lax.axis_index("s") * nc + lax.axis_index("c")
        base = wid * rpw
        pbase = base * P
        pltpu.sync_copy(pidx_hbm.at[pl.ds(pbase, rpw * P)], idx_v)
        bufs = [(rows0, ga0, gb0, ss0), (rows1, ga1, gb1, ss1),
                (rows2, ga2, gb2, ss2), (rows3, ga3, gb3, ss3)]

        def gather_copies(u, slot):
            rows_v, sem_a, sem_b, _ = bufs[slot]
            return (
                pltpu.make_async_copy(
                    table_hbm.at[idx_v.at[pl.ds(u * unit, n_a)]],
                    rows_v.at[pl.ds(0, n_a)], sem_a),
                pltpu.make_async_copy(
                    table_hbm.at[idx_v.at[pl.ds(u * unit + n_a, n_b)]],
                    rows_v.at[pl.ds(n_a, n_b)], sem_b),
            )

        def scatter_copy(u, slot):
            rows_v, _, _, sem_s = bufs[slot]
            return pltpu.make_async_copy(
                rows_v.at[pl.ds(0, unit)],
                out_hbm.at[pl.ds(pbase + u * unit, unit)], sem_s)

        def start_gather(u, slot):
            for cp in gather_copies(u, slot):
                cp.start()

        def wait_gather(u, slot):
            for cp in gather_copies(u, slot):
                cp.wait()

        for j in range(nbuf):
            start_gather(j, j)

        def step_body(m, carry):
            for j in range(nbuf):
                u = nbuf * m + j
                slot_n = (j + 1) % nbuf
                wait_gather(u, j)
                scatter_copy(u, j).start()

                @pl.when((u >= nbuf - 1) & (u <= nunits - 2))
                def _():
                    scatter_copy(u + 1 - nbuf, slot_n).wait()
                    start_gather(u + 1, slot_n)
            return carry

        lax.fori_loop(0, nunits // nbuf, step_body, 0)
        for j in range(nbuf):
            u_last = nunits - nbuf + j
            scatter_copy(u_last, (u_last % nbuf)).wait()

    return k(pidx, table2)


def kernel(tile37, dora_tile34, emb_t34, emb_suit, emb_rank, emb_honor,
           emb_red, emb_cls, emb_dora, proj_w, proj_b, ln_g, ln_b):
    B, L = tile37.shape
    table2 = _build_pair_table(emb_t34, emb_suit, emb_rank, emb_honor,
                               emb_red, emb_cls, emb_dora, proj_w, proj_b,
                               ln_g, ln_b)
    pidx = _pair_indices(tile37, dora_tile34, B, L)
    out = _sc_embed(pidx, table2, B, L)
    return out.reshape(B, L, OUT_DIM)

# --- scband reference (transcript-rebuilt; emitter-appended) ---
"""Pipeline reference for scband-shared-tile-embedding-58901181497977 (READ-ONLY COPY).

The authoritative reference and input builder live on the scoring server;
editing this copy changes nothing except your own understanding.
"""

import jax, jax.numpy as jnp
import numpy as np

def _t37_to_t34(t):
    if t == 0:
        return 4
    if 1 <= t <= 9:
        return t - 1
    if t == 10:
        return 13
    if 11 <= t <= 19:
        return t - 2
    if t == 20:
        return 22
    if 21 <= t <= 36:
        return t - 3
    return 34

def _suit(t34):
    if 0 <= t34 <= 8:
        return 0
    if 9 <= t34 <= 17:
        return 1
    if 18 <= t34 <= 26:
        return 2
    if 27 <= t34 <= 33:
        return 3
    return 4

def _rank(t34):
    if 0 <= t34 <= 26:
        return t34 % 9
    if 27 <= t34 <= 33:
        return 9
    return 10

def _honor(t34):
    if 27 <= t34 <= 33:
        return t34 - 27
    if 0 <= t34 <= 26:
        return 7
    return 8

def _cls(t34):
    if 0 <= t34 <= 26:
        return 1 if (t34 % 9) in (0, 8) else 0
    if 27 <= t34 <= 30:
        return 2
    if 31 <= t34 <= 33:
        return 3
    return 4

def _build37():
    n = 38
    t34 = np.full(n, 34); su = np.full(n, 4); rk = np.full(n, 10)
    hk = np.full(n, 8); rf = np.full(n, 2); tc = np.full(n, 4)
    for t in range(37):
        a = _t37_to_t34(t)
        t34[t] = a; su[t] = _suit(a); rk[t] = _rank(a); hk[t] = _honor(a)
        rf[t] = 1 if t in (0, 10, 20) else 0
        tc[t] = _cls(a)
    return tuple(jnp.asarray(x, dtype=jnp.int32) for x in (t34, su, rk, hk, rf, tc))

_LUT37 = _build37()

ATTR = 16
OUT_DIM = 64
B = 4096
L = 200

def setup_inputs(seed: int = 0) -> dict:
    key = jax.random.key(seed)
    ks = jax.random.split(key, 12)
    tile37 = jax.random.randint(ks[0], (B, L), 0, 38)
    dora_tile34 = jax.random.randint(ks[1], (B, 4), 0, 34)
    def emb(k, vocab, pad):
        w = jax.random.normal(k, (vocab, ATTR), dtype=jnp.float32)
        return w.at[pad].set(0.0)
    emb_t34 = emb(ks[2], 35, 34)
    emb_suit = emb(ks[3], 5, 4)
    emb_rank = emb(ks[4], 11, 10)
    emb_honor = emb(ks[5], 9, 8)
    emb_red = emb(ks[6], 3, 2)
    emb_cls = emb(ks[7], 5, 4)
    emb_dora = emb(ks[8], 3, 2)
    proj_w = jax.random.normal(ks[9], (ATTR * 7, OUT_DIM), dtype=jnp.float32) * (1.0 / np.sqrt(ATTR * 7))
    proj_b = jnp.zeros((OUT_DIM,), dtype=jnp.float32)
    ln_g = jnp.ones((OUT_DIM,), dtype=jnp.float32)
    ln_b = jnp.zeros((OUT_DIM,), dtype=jnp.float32)
    return {"tile37": tile37, "dora_tile34": dora_tile34, "emb_t34": emb_t34, "emb_suit": emb_suit, "emb_rank": emb_rank, "emb_honor": emb_honor, "emb_red": emb_red, "emb_cls": emb_cls, "emb_dora": emb_dora, "proj_w": proj_w, "proj_b": proj_b, "ln_g": ln_g, "ln_b": ln_b}

def reference(tile37, dora_tile34, emb_t34, emb_suit, emb_rank, emb_honor, emb_red, emb_cls, emb_dora, proj_w, proj_b, ln_g, ln_b):
    T34, SU, RK, HK, RF, TC = _LUT37
    t34 = T34[tile37]; su = SU[tile37]; rk = RK[tile37]
    hk = HK[tile37]; rf = RF[tile37]; tc = TC[tile37]
    pad_mask = tile37 == 37
    tile_dora = (t34[..., None] == dora_tile34[:, None, :]).any(axis=-1)
    is_red = rf == 1
    dora_flag = jnp.where(tile_dora | is_red, 0, 1)
    dora_flag = jnp.where(pad_mask, 2, dora_flag)
    parts = jnp.concatenate([
        jnp.take(emb_t34, t34, axis=0),
        jnp.take(emb_suit, su, axis=0),
        jnp.take(emb_rank, rk, axis=0),
        jnp.take(emb_honor, hk, axis=0),
        jnp.take(emb_red, rf, axis=0),
        jnp.take(emb_cls, tc, axis=0),
        jnp.take(emb_dora, dora_flag, axis=0),
    ], axis=-1)
    h = parts @ proj_w + proj_b
    mu = jnp.mean(h, axis=-1, keepdims=True)
    var = jnp.var(h, axis=-1, keepdims=True)
    return (h - mu) / jnp.sqrt(var + 1e-5) * ln_g + ln_b

if __name__ == "__main__":
    import jax
    _d = setup_inputs()
    print(jax.jit(kernel)(*tuple(_d.values())))

</pallas_src>

<mosaic_0001>
#map = affine_map<(d0, d1) -> (0)>
#map1 = affine_map<(d0, d1) -> (0, 0)>
module attributes {stable_mosaic.version = 14 : i64} {
  func.func @k(%arg0: i32, %arg1: i32, %arg2: memref<409600xi32, #tpu.memory_space<hbm>>, %arg3: memref<14592x128xf32, #tpu.memory_space<hbm>>, %arg4: memref<409600x128xf32, #tpu.memory_space<hbm>>, %arg5: memref<12800xi32, #tpu.memory_space<vmem>>, %arg6: memref<200x128xf32, #tpu.memory_space<vmem>>, %arg7: memref<200x128xf32, #tpu.memory_space<vmem>>, %arg8: memref<200x128xf32, #tpu.memory_space<vmem>>, %arg9: memref<200x128xf32, #tpu.memory_space<vmem>>, %arg10: memref<!tpu.dma_semaphore, #tpu.memory_space<semaphore_mem>>, %arg11: memref<!tpu.dma_semaphore, #tpu.memory_space<semaphore_mem>>, %arg12: memref<!tpu.dma_semaphore, #tpu.memory_space<semaphore_mem>>, %arg13: memref<!tpu.dma_semaphore, #tpu.memory_space<semaphore_mem>>, %arg14: memref<!tpu.dma_semaphore, #tpu.memory_space<semaphore_mem>>, %arg15: memref<!tpu.dma_semaphore, #tpu.memory_space<semaphore_mem>>, %arg16: memref<!tpu.dma_semaphore, #tpu.memory_space<semaphore_mem>>, %arg17: memref<!tpu.dma_semaphore, #tpu.memory_space<semaphore_mem>>, %arg18: memref<!tpu.dma_semaphore, #tpu.memory_space<semaphore_mem>>, %arg19: memref<!tpu.dma_semaphore, #tpu.memory_space<semaphore_mem>>, %arg20: memref<!tpu.dma_semaphore, #tpu.memory_space<semaphore_mem>>, %arg21: memref<!tpu.dma_semaphore, #tpu.memory_space<semaphore_mem>>) attributes {dimension_semantics = [#tpu.dimension_semantics<core_parallel>, #tpu.dimension_semantics<subcore_parallel>], iteration_bounds = array<i64: 2, 16>, scalar_prefetch = 0 : i64, scratch_operands = 17 : i64, tpu.core_type = #tpu.core_type<sc_vector_subcore>, window_params = [{transform_indices = #map}, {transform_indices = #map1}, {transform_indices = #map1}]} {
    %mul3A = arith.constant 2 : i32
    %mul3A_0 = arith.muli %arg1, %mul3A : i32
    %add3A = arith.addi %mul3A_0, %arg0 : i32
    %mul3A_1 = arith.constant 128 : i32
    %mul3A_2 = arith.muli %add3A, %mul3A_1 : i32
    %mul3A_3 = arith.constant 100 : i32
    %mul3A_4 = arith.muli %mul3A_2, %mul3A_3 : i32
    "tpu.region"() ({
      %run_scoped3A = tpu.sem_alloc : memref<!tpu.dma_semaphore, #tpu.memory_space<semaphore_mem>>
      %dma_start3A_120 = tpu.memref_slice %arg2[%mul3A_4] : memref<409600xi32, #tpu.memory_space<hbm>> -> memref<12800xi32, #tpu.memory_space<hbm>>
      %dma_start3A_121 = tpu.memref_slice %arg2[%mul3A_4] : memref<409600xi32, #tpu.memory_space<hbm>> -> memref<12800xi32, #tpu.memory_space<hbm>>
      tpu.enqueue_dma source(%dma_start3A_121 : memref<12800xi32, #tpu.memory_space<hbm>>) target(%arg5 : memref<12800xi32, #tpu.memory_space<vmem>>) target_semaphore(%run_scoped3A : memref<!tpu.dma_semaphore, #tpu.memory_space<semaphore_mem>>)
      %dma_wait3A_122 = tpu.memref_slice %arg2[%mul3A_4] : memref<409600xi32, #tpu.memory_space<hbm>> -> memref<12800xi32, #tpu.memory_space<hbm>>
      %dma_wait3A_123 = tpu.memref_slice %arg2[%mul3A_4] : memref<409600xi32, #tpu.memory_space<hbm>> -> memref<12800xi32, #tpu.memory_space<hbm>>
      tpu.wait_dma2 semaphore(%run_scoped3A : memref<!tpu.dma_semaphore, #tpu.memory_space<semaphore_mem>>) src(%dma_wait3A_123 : memref<12800xi32, #tpu.memory_space<hbm>>) dst(%arg5 : memref<12800xi32, #tpu.memory_space<vmem>>)
      tpu.yield
    }) : () -> ()
    %dma_start3A = arith.constant 0 : i32
    %dma_start3A_5 = arith.constant 0 : i32
    %dma_start3A_6 = tpu.memref_slice %arg6[%dma_start3A, %dma_start3A_5] : memref<200x128xf32, #tpu.memory_space<vmem>> -> memref<128x128xf32, #tpu.memory_space<vmem>>
    %dma_start3A_7 = arith.constant 0 : i32
    %dma_start3A_8 = tpu.memref_slice %arg5[%dma_start3A_7] : memref<12800xi32, #tpu.memory_space<vmem>> -> memref<128xi32, #tpu.memory_space<vmem>>
    %dma_start3A_9 = arith.constant 0 : i32
    %dma_start3A_10 = arith.constant 0 : i32
    %dma_start3A_11 = tpu.memref_slice %arg3[%dma_start3A_9, %dma_start3A_10] : memref<14592x128xf32, #tpu.memory_space<hbm>> -> memref<14592x128xf32, #tpu.memory_space<hbm>>
    tpu.enqueue_indirect_dma source(%dma_start3A_11 : memref<14592x128xf32, #tpu.memory_space<hbm>>) target(%dma_start3A_6 : memref<128x128xf32, #tpu.memory_space<vmem>>) offsets(%dma_start3A_8 : memref<128xi32, #tpu.memory_space<vmem>>) semaphore(%arg10 : memref<!tpu.dma_semaphore, #tpu.memory_space<semaphore_mem>>)
    %dma_start3A_12 = arith.constant 128 : i32
    %dma_start3A_13 = arith.constant 0 : i32
    %dma_start3A_14 = tpu.memref_slice %arg6[%dma_start3A_12, %dma_start3A_13] : memref<200x128xf32, #tpu.memory_space<vmem>> -> memref<72x128xf32, #tpu.memory_space<vmem>>
    %dma_start3A_15 = arith.constant 128 : i32
    %dma_start3A_16 = tpu.memref_slice %arg5[%dma_start3A_15] : memref<12800xi32, #tpu.memory_space<vmem>> -> memref<72xi32, #tpu.memory_space<vmem>>
    %dma_start3A_17 = arith.constant 0 : i32
    %dma_start3A_18 = arith.constant 0 : i32
    %dma_start3A_19 = tpu.memref_slice %arg3[%dma_start3A_17, %dma_start3A_18] : memref<14592x128xf32, #tpu.memory_space<hbm>> -> memref<14592x128xf32, #tpu.memory_space<hbm>>
    tpu.enqueue_indirect_dma source(%dma_start3A_19 : memref<14592x128xf32, #tpu.memory_space<hbm>>) target(%dma_start3A_14 : memref<72x128xf32, #tpu.memory_space<vmem>>) offsets(%dma_start3A_16 : memref<72xi32, #tpu.memory_space<vmem>>) semaphore(%arg11 : memref<!tpu.dma_semaphore, #tpu.memory_space<semaphore_mem>>)
    %dma_start3A_20 = arith.constant 0 : i32
    %dma_start3A_21 = arith.constant 0 : i32
    %dma_start3A_22 = tpu.memref_slice %arg7[%dma_start3A_20, %dma_start3A_21] : memref<200x128xf32, #tpu.memory_space<vmem>> -> memref<128x128xf32, #tpu.memory_space<vmem>>
    %dma_start3A_23 = arith.constant 200 : i32
    %dma_start3A_24 = tpu.memref_slice %arg5[%dma_start3A_23] : memref<12800xi32, #tpu.memory_space<vmem>> -> memref<128xi32, #tpu.memory_space<vmem>>
    %dma_start3A_25 = arith.constant 0 : i32
    %dma_start3A_26 = arith.constant 0 : i32
    %dma_start3A_27 = tpu.memref_slice %arg3[%dma_start3A_25, %dma_start3A_26] : memref<14592x128xf32, #tpu.memory_space<hbm>> -> memref<14592x128xf32, #tpu.memory_space<hbm>>
    tpu.enqueue_indirect_dma source(%dma_start3A_27 : memref<14592x128xf32, #tpu.memory_space<hbm>>) target(%dma_start3A_22 : memref<128x128xf32, #tpu.memory_space<vmem>>) offsets(%dma_start3A_24 : memref<128xi32, #tpu.memory_space<vmem>>) semaphore(%arg13 : memref<!tpu.dma_semaphore, #tpu.memory_space<semaphore_mem>>)
    %dma_start3A_28 = arith.constant 128 : i32
    %dma_start3A_29 = arith.constant 0 : i32
    %dma_start3A_30 = tpu.memref_slice %arg7[%dma_start3A_28, %dma_start3A_29] : memref<200x128xf32, #tpu.memory_space<vmem>> -> memref<72x128xf32, #tpu.memory_space<vmem>>
    %dma_start3A_31 = arith.constant 328 : i32
    %dma_start3A_32 = tpu.memref_slice %arg5[%dma_start3A_31] : memref<12800xi32, #tpu.memory_space<vmem>> -> memref<72xi32, #tpu.memory_space<vmem>>
    %dma_start3A_33 = arith.constant 0 : i32
    %dma_start3A_34 = arith.constant 0 : i32
    %dma_start3A_35 = tpu.memref_slice %arg3[%dma_start3A_33, %dma_start3A_34] : memref<14592x128xf32, #tpu.memory_space<hbm>> -> memref<14592x128xf32, #tpu.memory_space<hbm>>
    tpu.enqueue_indirect_dma source(%dma_start3A_35 : memref<14592x128xf32, #tpu.memory_space<hbm>>) target(%dma_start3A_30 : memref<72x128xf32, #tpu.memory_space<vmem>>) offsets(%dma_start3A_32 : memref<72xi32, #tpu.memory_space<vmem>>) semaphore(%arg14 : memref<!tpu.dma_semaphore, #tpu.memory_space<semaphore_mem>>)
    %dma_start3A_36 = arith.constant 0 : i32
    %dma_start3A_37 = arith.constant 0 : i32
    %dma_start3A_38 = tpu.memref_slice %arg8[%dma_start3A_36, %dma_start3A_37] : memref<200x128xf32, #tpu.memory_space<vmem>> -> memref<128x128xf32, #tpu.memory_space<vmem>>
    %dma_start3A_39 = arith.constant 400 : i32
    %dma_start3A_40 = tpu.memref_slice %arg5[%dma_start3A_39] : memref<12800xi32, #tpu.memory_space<vmem>> -> memref<128xi32, #tpu.memory_space<vmem>>
    %dma_start3A_41 = arith.constant 0 : i32
    %dma_start3A_42 = arith.constant 0 : i32
    %dma_start3A_43 = tpu.memref_slice %arg3[%dma_start3A_41, %dma_start3A_42] : memref<14592x128xf32, #tpu.memory_space<hbm>> -> memref<14592x128xf32, #tpu.memory_space<hbm>>
    tpu.enqueue_indirect_dma source(%dma_start3A_43 : memref<14592x128xf32, #tpu.memory_space<hbm>>) target(%dma_start3A_38 : memref<128x128xf32, #tpu.memory_space<vmem>>) offsets(%dma_start3A_40 : memref<128xi32, #tpu.memory_space<vmem>>) semaphore(%arg16 : memref<!tpu.dma_semaphore, #tpu.memory_space<semaphore_mem>>)
    %dma_start3A_44 = arith.constant 128 : i32
    %dma_start3A_45 = arith.constant 0 : i32
    %dma_start3A_46 = tpu.memref_slice %arg8[%dma_start3A_44, %dma_start3A_45] : memref<200x128xf32, #tpu.memory_space<vmem>> -> memref<72x128xf32, #tpu.memory_space<vmem>>
    %dma_start3A_47 = arith.constant 528 : i32
    %dma_start3A_48 = tpu.memref_slice %arg5[%dma_start3A_47] : memref<12800xi32, #tpu.memory_space<vmem>> -> memref<72xi32, #tpu.memory_space<vmem>>
    %dma_start3A_49 = arith.constant 0 : i32
    %dma_start3A_50 = arith.constant 0 : i32
    %dma_start3A_51 = tpu.memref_slice %arg3[%dma_start3A_49, %dma_start3A_50] : memref<14592x128xf32, #tpu.memory_space<hbm>> -> memref<14592x128xf32, #tpu.memory_space<hbm>>
    tpu.enqueue_indirect_dma source(%dma_start3A_51 : memref<14592x128xf32, #tpu.memory_space<hbm>>) target(%dma_start3A_46 : memref<72x128xf32, #tpu.memory_space<vmem>>) offsets(%dma_start3A_48 : memref<72xi32, #tpu.memory_space<vmem>>) semaphore(%arg17 : memref<!tpu.dma_semaphore, #tpu.memory_space<semaphore_mem>>)
    %dma_start3A_52 = arith.constant 0 : i32
    %dma_start3A_53 = arith.constant 0 : i32
    %dma_start3A_54 = tpu.memref_slice %arg9[%dma_start3A_52, %dma_start3A_53] : memref<200x128xf32, #tpu.memory_space<vmem>> -> memref<128x128xf32, #tpu.memory_space<vmem>>
    %dma_start3A_55 = arith.constant 600 : i32
    %dma_start3A_56 = tpu.memref_slice %arg5[%dma_start3A_55] : memref<12800xi32, #tpu.memory_space<vmem>> -> memref<128xi32, #tpu.memory_space<vmem>>
    %dma_start3A_57 = arith.constant 0 : i32
    %dma_start3A_58 = arith.constant 0 : i32
    %dma_start3A_59 = tpu.memref_slice %arg3[%dma_start3A_57, %dma_start3A_58] : memref<14592x128xf32, #tpu.memory_space<hbm>> -> memref<14592x128xf32, #tpu.memory_space<hbm>>
    tpu.enqueue_indirect_dma source(%dma_start3A_59 : memref<14592x128xf32, #tpu.memory_space<hbm>>) target(%dma_start3A_54 : memref<128x128xf32, #tpu.memory_space<vmem>>) offsets(%dma_start3A_56 : memref<128xi32, #tpu.memory_space<vmem>>) semaphore(%arg19 : memref<!tpu.dma_semaphore, #tpu.memory_space<semaphore_mem>>)
    %dma_start3A_60 = arith.constant 128 : i32
    %dma_start3A_61 = arith.constant 0 : i32
    %dma_start3A_62 = tpu.memref_slice %arg9[%dma_start3A_60, %dma_start3A_61] : memref<200x128xf32, #tpu.memory_space<vmem>> -> memref<72x128xf32, #tpu.memory_space<vmem>>
    %dma_start3A_63 = arith.constant 728 : i32
    %dma_start3A_64 = tpu.memref_slice %arg5[%dma_start3A_63] : memref<12800xi32, #tpu.memory_space<vmem>> -> memref<72xi32, #tpu.memory_space<vmem>>
    %dma_start3A_65 = arith.constant 0 : i32
    %dma_start3A_66 = arith.constant 0 : i32
    %dma_start3A_67 = tpu.memref_slice %arg3[%dma_start3A_65, %dma_start3A_66] : memref<14592x128xf32, #tpu.memory_space<hbm>> -> memref<14592x128xf32, #tpu.memory_space<hbm>>
    tpu.enqueue_indirect_dma source(%dma_start3A_67 : memref<14592x128xf32, #tpu.memory_space<hbm>>) target(%dma_start3A_62 : memref<72x128xf32, #tpu.memory_space<vmem>>) offsets(%dma_start3A_64 : memref<72xi32, #tpu.memory_space<vmem>>) semaphore(%arg20 : memref<!tpu.dma_semaphore, #tpu.memory_space<semaphore_mem>>)
    %scan3A = arith.constant 0 : i32
    %scan3A_68 = arith.constant 0 : i32
    %scan3A_69 = arith.constant 16 : i32
    %scan3A_70 = arith.addi %scan3A_68, %scan3A_69 : i32
    %scan3A_71 = arith.constant 1 : i32
    scf.for %scan3A_120 = %scan3A_68 to %scan3A_70 step %scan3A_71  : i32 {
      %mul3A_121 = arith.constant 4 : i32
      %mul3A_122 = arith.muli %mul3A_121, %scan3A_120 : i32
      %add3A_123 = arith.constant 0 : i32
      %add3A_124 = arith.addi %mul3A_122, %add3A_123 : i32
      %mul3A_125 = arith.constant 200 : i32
      %mul3A_126 = arith.muli %add3A_124, %mul3A_125 : i32
      %mul3A_127 = arith.constant 200 : i32
      %mul3A_128 = arith.muli %add3A_124, %mul3A_127 : i32
      %add3A_129 = arith.constant 128 : i32
      %add3A_130 = arith.addi %mul3A_128, %add3A_129 : i32
      %dma_wait3A_131 = arith.constant 0 : i32
      %dma_wait3A_132 = arith.constant 0 : i32
      %dma_wait3A_133 = tpu.memref_slice %arg6[%dma_wait3A_131, %dma_wait3A_132] : memref<200x128xf32, #tpu.memory_space<vmem>> -> memref<128x128xf32, #tpu.memory_space<vmem>>
      %dma_wait3A_134 = tpu.memref_slice %arg5[%mul3A_126] : memref<12800xi32, #tpu.memory_space<vmem>> -> memref<128xi32, #tpu.memory_space<vmem>>
      %dma_wait3A_135 = arith.constant 0 : i32
      %dma_wait3A_136 = arith.constant 0 : i32
      %dma_wait3A_137 = tpu.memref_slice %arg3[%dma_wait3A_135, %dma_wait3A_136] : memref<14592x128xf32, #tpu.memory_space<hbm>> -> memref<14592x128xf32, #tpu.memory_space<hbm>>
      tpu.wait_indirect_dma semaphore(%arg10 : memref<!tpu.dma_semaphore, #tpu.memory_space<semaphore_mem>>) src(%dma_wait3A_137 : memref<14592x128xf32, #tpu.memory_space<hbm>>) dst(%dma_wait3A_133 : memref<128x128xf32, #tpu.memory_space<vmem>>)
      %dma_wait3A_138 = arith.constant 128 : i32
      %dma_wait3A_139 = arith.constant 0 : i32
      %dma_wait3A_140 = tpu.memref_slice %arg6[%dma_wait3A_138, %dma_wait3A_139] : memref<200x128xf32, #tpu.memory_space<vmem>> -> memref<72x128xf32, #tpu.memory_space<vmem>>
      %dma_wait3A_141 = tpu.memref_slice %arg5[%add3A_130] : memref<12800xi32, #tpu.memory_space<vmem>> -> memref<72xi32, #tpu.memory_space<vmem>>
      %dma_wait3A_142 = arith.constant 0 : i32
      %dma_wait3A_143 = arith.constant 0 : i32
      %dma_wait3A_144 = tpu.memref_slice %arg3[%dma_wait3A_142, %dma_wait3A_143] : memref<14592x128xf32, #tpu.memory_space<hbm>> -> memref<14592x128xf32, #tpu.memory_space<hbm>>
      tpu.wait_indirect_dma semaphore(%arg11 : memref<!tpu.dma_semaphore, #tpu.memory_space<semaphore_mem>>) src(%dma_wait3A_144 : memref<14592x128xf32, #tpu.memory_space<hbm>>) dst(%dma_wait3A_140 : memref<72x128xf32, #tpu.memory_space<vmem>>)
      %mul3A_145 = arith.constant 200 : i32
      %mul3A_146 = arith.muli %add3A_124, %mul3A_145 : i32
      %add3A_147 = arith.addi %mul3A_4, %mul3A_146 : i32
      %dma_start3A_148 = arith.constant 0 : i32
      %dma_start3A_149 = arith.constant 0 : i32
      %dma_start3A_150 = tpu.memref_slice %arg6[%dma_start3A_148, %dma_start3A_149] : memref<200x128xf32, #tpu.memory_space<vmem>> -> memref<200x128xf32, #tpu.memory_space<vmem>>
      %dma_start3A_151 = arith.constant 0 : i32
      %dma_start3A_152 = tpu.memref_slice %arg4[%add3A_147, %dma_start3A_151] : memref<409600x128xf32, #tpu.memory_space<hbm>> -> memref<200x128xf32, #tpu.memory_space<hbm>>
      %dma_start3A_153 = arith.constant 0 : i32
      %dma_start3A_154 = tpu.memref_slice %arg4[%add3A_147, %dma_start3A_153] : memref<409600x128xf32, #tpu.memory_space<hbm>> -> memref<200x128xf32, #tpu.memory_space<hbm>>
      %dma_start3A_155 = arith.constant 0 : i32
      %dma_start3A_156 = arith.constant 0 : i32
      %dma_start3A_157 = tpu.memref_slice %arg6[%dma_start3A_155, %dma_start3A_156] : memref<200x128xf32, #tpu.memory_space<vmem>> -> memref<200x128xf32, #tpu.memory_space<vmem>>
      tpu.enqueue_dma source(%dma_start3A_157 : memref<200x128xf32, #tpu.memory_space<vmem>>) target(%dma_start3A_154 : memref<200x128xf32, #tpu.memory_space<hbm>>) target_semaphore(%arg12 : memref<!tpu.dma_semaphore, #tpu.memory_space<semaphore_mem>>)
      %ge3A = arith.constant 3 : i32
      %ge3A_158 = arith.cmpi sge, %add3A_124, %ge3A : i32
      %le3A = arith.constant 62 : i32
      %le3A_159 = arith.cmpi sle, %add3A_124, %le3A : i32
      %and3A = arith.andi %ge3A_158, %le3A_159 : i1
      %convert_element_type3A = arith.extui %and3A : i1 to i32
      %cond3A = arith.constant 0 : i32
      %cond3A_160 = arith.cmpi ne, %convert_element_type3A, %cond3A : i32
      scf.if %cond3A_160 {
        %add3A_296 = arith.constant 1 : i32
        %add3A_297 = arith.addi %add3A_124, %add3A_296 : i32
        %sub3A = arith.constant 4 : i32
        %sub3A_298 = arith.subi %add3A_297, %sub3A : i32
        %mul3A_299 = arith.constant 200 : i32
        %mul3A_300 = arith.muli %sub3A_298, %mul3A_299 : i32
        %add3A_301 = arith.addi %mul3A_4, %mul3A_300 : i32
        %dma_wait3A_302 = arith.constant 0 : i32
        %dma_wait3A_303 = arith.constant 0 : i32
        %dma_wait3A_304 = tpu.memref_slice %arg7[%dma_wait3A_302, %dma_wait3A_303] : memref<200x128xf32, #tpu.memory_space<vmem>> -> memref<200x128xf32, #tpu.memory_space<vmem>>
        %dma_wait3A_305 = arith.constant 0 : i32
        %dma_wait3A_306 = tpu.memref_slice %arg4[%add3A_301, %dma_wait3A_305] : memref<409600x128xf32, #tpu.memory_space<hbm>> -> memref<200x128xf32, #tpu.memory_space<hbm>>
        %dma_wait3A_307 = arith.constant 0 : i32
        %dma_wait3A_308 = tpu.memref_slice %arg4[%add3A_301, %dma_wait3A_307] : memref<409600x128xf32, #tpu.memory_space<hbm>> -> memref<200x128xf32, #tpu.memory_space<hbm>>
        %dma_wait3A_309 = arith.constant 0 : i32
        %dma_wait3A_310 = arith.constant 0 : i32
        %dma_wait3A_311 = tpu.memref_slice %arg7[%dma_wait3A_309, %dma_wait3A_310] : memref<200x128xf32, #tpu.memory_space<vmem>> -> memref<200x128xf32, #tpu.memory_space<vmem>>
        tpu.wait_dma2 semaphore(%arg15 : memref<!tpu.dma_semaphore, #tpu.memory_space<semaphore_mem>>) src(%dma_wait3A_311 : memref<200x128xf32, #tpu.memory_space<vmem>>) dst(%dma_wait3A_308 : memref<200x128xf32, #tpu.memory_space<hbm>>)
        %add3A_312 = arith.constant 1 : i32
        %add3A_313 = arith.addi %add3A_124, %add3A_312 : i32
        %mul3A_314 = arith.constant 200 : i32
        %mul3A_315 = arith.muli %add3A_313, %mul3A_314 : i32
        %mul3A_316 = arith.constant 200 : i32
        %mul3A_317 = arith.muli %add3A_313, %mul3A_316 : i32
        %add3A_318 = arith.constant 128 : i32
        %add3A_319 = arith.addi %mul3A_317, %add3A_318 : i32
        %dma_start3A_320 = arith.constant 0 : i32
        %dma_start3A_321 = arith.constant 0 : i32
        %dma_start3A_322 = tpu.memref_slice %arg7[%dma_start3A_320, %dma_start3A_321] : memref<200x128xf32, #tpu.memory_space<vmem>> -> memref<128x128xf32, #tpu.memory_space<vmem>>
        %dma_start3A_323 = tpu.memref_slice %arg5[%mul3A_315] : memref<12800xi32, #tpu.memory_space<vmem>> -> memref<128xi32, #tpu.memory_space<vmem>>
        %dma_start3A_324 = arith.constant 0 : i32
        %dma_start3A_325 = arith.constant 0 : i32
        %dma_start3A_326 = tpu.memref_slice %arg3[%dma_start3A_324, %dma_start3A_325] : memref<14592x128xf32, #tpu.memory_space<hbm>> -> memref<14592x128xf32, #tpu.memory_space<hbm>>
        tpu.enqueue_indirect_dma source(%dma_start3A_326 : memref<14592x128xf32, #tpu.memory_space<hbm>>) target(%dma_start3A_322 : memref<128x128xf32, #tpu.memory_space<vmem>>) offsets(%dma_start3A_323 : memref<128xi32, #tpu.memory_space<vmem>>) semaphore(%arg13 : memref<!tpu.dma_semaphore, #tpu.memory_space<semaphore_mem>>)
        %dma_start3A_327 = arith.constant 128 : i32
        %dma_start3A_328 = arith.constant 0 : i32
        %dma_start3A_329 = tpu.memref_slice %arg7[%dma_start3A_327, %dma_start3A_328] : memref<200x128xf32, #tpu.memory_space<vmem>> -> memref<72x128xf32, #tpu.memory_space<vmem>>
        %dma_start3A_330 = tpu.memref_slice %arg5[%add3A_319] : memref<12800xi32, #tpu.memory_space<vmem>> -> memref<72xi32, #tpu.memory_space<vmem>>
        %dma_start3A_331 = arith.constant 0 : i32
        %dma_start3A_332 = arith.constant 0 : i32
        %dma_start3A_333 = tpu.memref_slice %arg3[%dma_start3A_331, %dma_start3A_332] : memref<14592x128xf32, #tpu.memory_space<hbm>> -> memref<14592x128xf32, #tpu.memory_space<hbm>>
        tpu.enqueue_indirect_dma source(%dma_start3A_333 : memref<14592x128xf32, #tpu.memory_space<hbm>>) target(%dma_start3A_329 : memref<72x128xf32, #tpu.memory_space<vmem>>) offsets(%dma_start3A_330 : memref<72xi32, #tpu.memory_space<vmem>>) semaphore(%arg14 : memref<!tpu.dma_semaphore, #tpu.memory_space<semaphore_mem>>)
      } else {
      }
      %mul3A_161 = arith.constant 4 : i32
      %mul3A_162 = arith.muli %mul3A_161, %scan3A_120 : i32
      %add3A_163 = arith.constant 1 : i32
      %add3A_164 = arith.addi %mul3A_162, %add3A_163 : i32
      %mul3A_165 = arith.constant 200 : i32
      %mul3A_166 = arith.muli %add3A_164, %mul3A_165 : i32
      %mul3A_167 = arith.constant 200 : i32
      %mul3A_168 = arith.muli %add3A_164, %mul3A_167 : i32
      %add3A_169 = arith.constant 128 : i32
      %add3A_170 = arith.addi %mul3A_168, %add3A_169 : i32
      %dma_wait3A_171 = arith.constant 0 : i32
      %dma_wait3A_172 = arith.constant 0 : i32
      %dma_wait3A_173 = tpu.memref_slice %arg7[%dma_wait3A_171, %dma_wait3A_172] : memref<200x128xf32, #tpu.memory_space<vmem>> -> memref<128x128xf32, #tpu.memory_space<vmem>>
      %dma_wait3A_174 = tpu.memref_slice %arg5[%mul3A_166] : memref<12800xi32, #tpu.memory_space<vmem>> -> memref<128xi32, #tpu.memory_space<vmem>>
      %dma_wait3A_175 = arith.constant 0 : i32
      %dma_wait3A_176 = arith.constant 0 : i32
      %dma_wait3A_177 = tpu.memref_slice %arg3[%dma_wait3A_175, %dma_wait3A_176] : memref<14592x128xf32, #tpu.memory_space<hbm>> -> memref<14592x128xf32, #tpu.memory_space<hbm>>
      tpu.wait_indirect_dma semaphore(%arg13 : memref<!tpu.dma_semaphore, #tpu.memory_space<semaphore_mem>>) src(%dma_wait3A_177 : memref<14592x128xf32, #tpu.memory_space<hbm>>) dst(%dma_wait3A_173 : memref<128x128xf32, #tpu.memory_space<vmem>>)
      %dma_wait3A_178 = arith.constant 128 : i32
      %dma_wait3A_179 = arith.constant 0 : i32
      %dma_wait3A_180 = tpu.memref_slice %arg7[%dma_wait3A_178, %dma_wait3A_179] : memref<200x128xf32, #tpu.memory_space<vmem>> -> memref<72x128xf32, #tpu.memory_space<vmem>>
      %dma_wait3A_181 = tpu.memref_slice %arg5[%add3A_170] : memref<12800xi32, #tpu.memory_space<vmem>> -> memref<72xi32, #tpu.memory_space<vmem>>
      %dma_wait3A_182 = arith.constant 0 : i32
      %dma_wait3A_183 = arith.constant 0 : i32
      %dma_wait3A_184 = tpu.memref_slice %arg3[%dma_wait3A_182, %dma_wait3A_183] : memref<14592x128xf32, #tpu.memory_space<hbm>> -> memref<14592x128xf32, #tpu.memory_space<hbm>>
      tpu.wait_indirect_dma semaphore(%arg14 : memref<!tpu.dma_semaphore, #tpu.memory_space<semaphore_mem>>) src(%dma_wait3A_184 : memref<14592x128xf32, #tpu.memory_space<hbm>>) dst(%dma_wait3A_180 : memref<72x128xf32, #tpu.memory_space<vmem>>)
      %mul3A_185 = arith.constant 200 : i32
      %mul3A_186 = arith.muli %add3A_164, %mul3A_185 : i32
      %add3A_187 = arith.addi %mul3A_4, %mul3A_186 : i32
      %dma_start3A_188 = arith.constant 0 : i32
      %dma_start3A_189 = arith.constant 0 : i32
      %dma_start3A_190 = tpu.memref_slice %arg7[%dma_start3A_188, %dma_start3A_189] : memref<200x128xf32, #tpu.memory_space<vmem>> -> memref<200x128xf32, #tpu.memory_space<vmem>>
      %dma_start3A_191 = arith.constant 0 : i32
      %dma_start3A_192 = tpu.memref_slice %arg4[%add3A_187, %dma_start3A_191] : memref<409600x128xf32, #tpu.memory_space<hbm>> -> memref<200x128xf32, #tpu.memory_space<hbm>>
      %dma_start3A_193 = arith.constant 0 : i32
      %dma_start3A_194 = tpu.memref_slice %arg4[%add3A_187, %dma_start3A_193] : memref<409600x128xf32, #tpu.memory_space<hbm>> -> memref<200x128xf32, #tpu.memory_space<hbm>>
      %dma_start3A_195 = arith.constant 0 : i32
      %dma_start3A_196 = arith.constant 0 : i32
      %dma_start3A_197 = tpu.memref_slice %arg7[%dma_start3A_195, %dma_start3A_196] : memref<200x128xf32, #tpu.memory_space<vmem>> -> memref<200x128xf32, #tpu.memory_space<vmem>>
      tpu.enqueue_dma source(%dma_start3A_197 : memref<200x128xf32, #tpu.memory_space<vmem>>) target(%dma_start3A_194 : memref<200x128xf32, #tpu.memory_space<hbm>>) target_semaphore(%arg15 : memref<!tpu.dma_semaphore, #tpu.memory_space<semaphore_mem>>)
      %ge3A_198 = arith.constant 3 : i32
      %ge3A_199 = arith.cmpi sge, %add3A_164, %ge3A_198 : i32
      %le3A_200 = arith.constant 62 : i32
      %le3A_201 = arith.cmpi sle, %add3A_164, %le3A_200 : i32
      %and3A_202 = arith.andi %ge3A_199, %le3A_201 : i1
      %convert_element_type3A_203 = arith.extui %and3A_202 : i1 to i32
      %cond3A_204 = arith.constant 0 : i32
      %cond3A_205 = arith.cmpi ne, %convert_element_type3A_203, %cond3A_204 : i32
      scf.if %cond3A_205 {
        %add3A_296 = arith.constant 1 : i32
        %add3A_297 = arith.addi %add3A_164, %add3A_296 : i32
        %sub3A = arith.constant 4 : i32
        %sub3A_298 = arith.subi %add3A_297, %sub3A : i32
        %mul3A_299 = arith.constant 200 : i32
        %mul3A_300 = arith.muli %sub3A_298, %mul3A_299 : i32
        %add3A_301 = arith.addi %mul3A_4, %mul3A_300 : i32
        %dma_wait3A_302 = arith.constant 0 : i32
        %dma_wait3A_303 = arith.constant 0 : i32
        %dma_wait3A_304 = tpu.memref_slice %arg8[%dma_wait3A_302, %dma_wait3A_303] : memref<200x128xf32, #tpu.memory_space<vmem>> -> memref<200x128xf32, #tpu.memory_space<vmem>>
        %dma_wait3A_305 = arith.constant 0 : i32
        %dma_wait3A_306 = tpu.memref_slice %arg4[%add3A_301, %dma_wait3A_305] : memref<409600x128xf32, #tpu.memory_space<hbm>> -> memref<200x128xf32, #tpu.memory_space<hbm>>
        %dma_wait3A_307 = arith.constant 0 : i32
        %dma_wait3A_308 = tpu.memref_slice %arg4[%add3A_301, %dma_wait3A_307] : memref<409600x128xf32, #tpu.memory_space<hbm>> -> memref<200x128xf32, #tpu.memory_space<hbm>>
        %dma_wait3A_309 = arith.constant 0 : i32
        %dma_wait3A_310 = arith.constant 0 : i32
        %dma_wait3A_311 = tpu.memref_slice %arg8[%dma_wait3A_309, %dma_wait3A_310] : memref<200x128xf32, #tpu.memory_space<vmem>> -> memref<200x128xf32, #tpu.memory_space<vmem>>
        tpu.wait_dma2 semaphore(%arg18 : memref<!tpu.dma_semaphore, #tpu.memory_space<semaphore_mem>>) src(%dma_wait3A_311 : memref<200x128xf32, #tpu.memory_space<vmem>>) dst(%dma_wait3A_308 : memref<200x128xf32, #tpu.memory_space<hbm>>)
        %add3A_312 = arith.constant 1 : i32
        %add3A_313 = arith.addi %add3A_164, %add3A_312 : i32
        %mul3A_314 = arith.constant 200 : i32
        %mul3A_315 = arith.muli %add3A_313, %mul3A_314 : i32
        %mul3A_316 = arith.constant 200 : i32
        %mul3A_317 = arith.muli %add3A_313, %mul3A_316 : i32
        %add3A_318 = arith.constant 128 : i32
        %add3A_319 = arith.addi %mul3A_317, %add3A_318 : i32
        %dma_start3A_320 = arith.constant 0 : i32
        %dma_start3A_321 = arith.constant 0 : i32
        %dma_start3A_322 = tpu.memref_slice %arg8[%dma_start3A_320, %dma_start3A_321] : memref<200x128xf32, #tpu.memory_space<vmem>> -> memref<128x128xf32, #tpu.memory_space<vmem>>
        %dma_start3A_323 = tpu.memref_slice %arg5[%mul3A_315] : memref<12800xi32, #tpu.memory_space<vmem>> -> memref<128xi32, #tpu.memory_space<vmem>>
        %dma_start3A_324 = arith.constant 0 : i32
        %dma_start3A_325 = arith.constant 0 : i32
        %dma_start3A_326 = tpu.memref_slice %arg3[%dma_start3A_324, %dma_start3A_325] : memref<14592x128xf32, #tpu.memory_space<hbm>> -> memref<14592x128xf32, #tpu.memory_space<hbm>>
        tpu.enqueue_indirect_dma source(%dma_start3A_326 : memref<14592x128xf32, #tpu.memory_space<hbm>>) target(%dma_start3A_322 : memref<128x128xf32, #tpu.memory_space<vmem>>) offsets(%dma_start3A_323 : memref<128xi32, #tpu.memory_space<vmem>>) semaphore(%arg16 : memref<!tpu.dma_semaphore, #tpu.memory_space<semaphore_mem>>)
        %dma_start3A_327 = arith.constant 128 : i32
        %dma_start3A_328 = arith.constant 0 : i32
        %dma_start3A_329 = tpu.memref_slice %arg8[%dma_start3A_327, %dma_start3A_328] : memref<200x128xf32, #tpu.memory_space<vmem>> -> memref<72x128xf32, #tpu.memory_space<vmem>>
        %dma_start3A_330 = tpu.memref_slice %arg5[%add3A_319] : memref<12800xi32, #tpu.memory_space<vmem>> -> memref<72xi32, #tpu.memory_space<vmem>>
        %dma_start3A_331 = arith.constant 0 : i32
        %dma_start3A_332 = arith.constant 0 : i32
        %dma_start3A_333 = tpu.memref_slice %arg3[%dma_start3A_331, %dma_start3A_332] : memref<14592x128xf32, #tpu.memory_space<hbm>> -> memref<14592x128xf32, #tpu.memory_space<hbm>>
        tpu.enqueue_indirect_dma source(%dma_start3A_333 : memref<14592x128xf32, #tpu.memory_space<hbm>>) target(%dma_start3A_329 : memref<72x128xf32, #tpu.memory_space<vmem>>) offsets(%dma_start3A_330 : memref<72xi32, #tpu.memory_space<vmem>>) semaphore(%arg17 : memref<!tpu.dma_semaphore, #tpu.memory_space<semaphore_mem>>)
      } else {
      }
      %mul3A_206 = arith.constant 4 : i32
      %mul3A_207 = arith.muli %mul3A_206, %scan3A_120 : i32
      %add3A_208 = arith.constant 2 : i32
      %add3A_209 = arith.addi %mul3A_207, %add3A_208 : i32
      %mul3A_210 = arith.constant 200 : i32
      %mul3A_211 = arith.muli %add3A_209, %mul3A_210 : i32
      %mul3A_212 = arith.constant 200 : i32
      %mul3A_213 = arith.muli %add3A_209, %mul3A_212 : i32
      %add3A_214 = arith.constant 128 : i32
      %add3A_215 = arith.addi %mul3A_213, %add3A_214 : i32
      %dma_wait3A_216 = arith.constant 0 : i32
      %dma_wait3A_217 = arith.constant 0 : i32
      %dma_wait3A_218 = tpu.memref_slice %arg8[%dma_wait3A_216, %dma_wait3A_217] : memref<200x128xf32, #tpu.memory_space<vmem>> -> memref<128x128xf32, #tpu.memory_space<vmem>>
      %dma_wait3A_219 = tpu.memref_slice %arg5[%mul3A_211] : memref<12800xi32, #tpu.memory_space<vmem>> -> memref<128xi32, #tpu.memory_space<vmem>>
      %dma_wait3A_220 = arith.constant 0 : i32
      %dma_wait3A_221 = arith.constant 0 : i32
      %dma_wait3A_222 = tpu.memref_slice %arg3[%dma_wait3A_220, %dma_wait3A_221] : memref<14592x128xf32, #tpu.memory_space<hbm>> -> memref<14592x128xf32, #tpu.memory_space<hbm>>
      tpu.wait_indirect_dma semaphore(%arg16 : memref<!tpu.dma_semaphore, #tpu.memory_space<semaphore_mem>>) src(%dma_wait3A_222 : memref<14592x128xf32, #tpu.memory_space<hbm>>) dst(%dma_wait3A_218 : memref<128x128xf32, #tpu.memory_space<vmem>>)
      %dma_wait3A_223 = arith.constant 128 : i32
      %dma_wait3A_224 = arith.constant 0 : i32
      %dma_wait3A_225 = tpu.memref_slice %arg8[%dma_wait3A_223, %dma_wait3A_224] : memref<200x128xf32, #tpu.memory_space<vmem>> -> memref<72x128xf32, #tpu.memory_space<vmem>>
      %dma_wait3A_226 = tpu.memref_slice %arg5[%add3A_215] : memref<12800xi32, #tpu.memory_space<vmem>> -> memref<72xi32, #tpu.memory_space<vmem>>
      %dma_wait3A_227 = arith.constant 0 : i32
      %dma_wait3A_228 = arith.constant 0 : i32
      %dma_wait3A_229 = tpu.memref_slice %arg3[%dma_wait3A_227, %dma_wait3A_228] : memref<14592x128xf32, #tpu.memory_space<hbm>> -> memref<14592x128xf32, #tpu.memory_space<hbm>>
      tpu.wait_indirect_dma semaphore(%arg17 : memref<!tpu.dma_semaphore, #tpu.memory_space<semaphore_mem>>) src(%dma_wait3A_229 : memref<14592x128xf32, #tpu.memory_space<hbm>>) dst(%dma_wait3A_225 : memref<72x128xf32, #tpu.memory_space<vmem>>)
      %mul3A_230 = arith.constant 200 : i32
      %mul3A_231 = arith.muli %add3A_209, %mul3A_230 : i32
      %add3A_232 = arith.addi %mul3A_4, %mul3A_231 : i32
      %dma_start3A_233 = arith.constant 0 : i32
      %dma_start3A_234 = arith.constant 0 : i32
      %dma_start3A_235 = tpu.memref_slice %arg8[%dma_start3A_233, %dma_start3A_234] : memref<200x128xf32, #tpu.memory_space<vmem>> -> memref<200x128xf32, #tpu.memory_space<vmem>>
      %dma_start3A_236 = arith.constant 0 : i32
      %dma_start3A_237 = tpu.memref_slice %arg4[%add3A_232, %dma_start3A_236] : memref<409600x128xf32, #tpu.memory_space<hbm>> -> memref<200x128xf32, #tpu.memory_space<hbm>>
      %dma_start3A_238 = arith.constant 0 : i32
      %dma_start3A_239 = tpu.memref_slice %arg4[%add3A_232, %dma_start3A_238] : memref<409600x128xf32, #tpu.memory_space<hbm>> -> memref<200x128xf32, #tpu.memory_space<hbm>>
      %dma_start3A_240 = arith.constant 0 : i32
      %dma_start3A_241 = arith.constant 0 : i32
      %dma_start3A_242 = tpu.memref_slice %arg8[%dma_start3A_240, %dma_start3A_241] : memref<200x128xf32, #tpu.memory_space<vmem>> -> memref<200x128xf32, #tpu.memory_space<vmem>>
      tpu.enqueue_dma source(%dma_start3A_242 : memref<200x128xf32, #tpu.memory_space<vmem>>) target(%dma_start3A_239 : memref<200x128xf32, #tpu.memory_space<hbm>>) target_semaphore(%arg18 : memref<!tpu.dma_semaphore, #tpu.memory_space<semaphore_mem>>)
      %ge3A_243 = arith.constant 3 : i32
      %ge3A_244 = arith.cmpi sge, %add3A_209, %ge3A_243 : i32
      %le3A_245 = arith.constant 62 : i32
      %le3A_246 = arith.cmpi sle, %add3A_209, %le3A_245 : i32
      %and3A_247 = arith.andi %ge3A_244, %le3A_246 : i1
      %convert_element_type3A_248 = arith.extui %and3A_247 : i1 to i32
      %cond3A_249 = arith.constant 0 : i32
      %cond3A_250 = arith.cmpi ne, %convert_element_type3A_248, %cond3A_249 : i32
      scf.if %cond3A_250 {
        %add3A_296 = arith.constant 1 : i32
        %add3A_297 = arith.addi %add3A_209, %add3A_296 : i32
        %sub3A = arith.constant 4 : i32
        %sub3A_298 = arith.subi %add3A_297, %sub3A : i32
        %mul3A_299 = arith.constant 200 : i32
        %mul3A_300 = arith.muli %sub3A_298, %mul3A_299 : i32
        %add3A_301 = arith.addi %mul3A_4, %mul3A_300 : i32
        %dma_wait3A_302 = arith.constant 0 : i32
        %dma_wait3A_303 = arith.constant 0 : i32
        %dma_wait3A_304 = tpu.memref_slice %arg9[%dma_wait3A_302, %dma_wait3A_303] : memref<200x128xf32, #tpu.memory_space<vmem>> -> memref<200x128xf32, #tpu.memory_space<vmem>>
        %dma_wait3A_305 = arith.constant 0 : i32
        %dma_wait3A_306 = tpu.memref_slice %arg4[%add3A_301, %dma_wait3A_305] : memref<409600x128xf32, #tpu.memory_space<hbm>> -> memref<200x128xf32, #tpu.memory_space<hbm>>
        %dma_wait3A_307 = arith.constant 0 : i32
        %dma_wait3A_308 = tpu.memref_slice %arg4[%add3A_301, %dma_wait3A_307] : memref<409600x128xf32, #tpu.memory_space<hbm>> -> memref<200x128xf32, #tpu.memory_space<hbm>>
        %dma_wait3A_309 = arith.constant 0 : i32
        %dma_wait3A_310 = arith.constant 0 : i32
        %dma_wait3A_311 = tpu.memref_slice %arg9[%dma_wait3A_309, %dma_wait3A_310] : memref<200x128xf32, #tpu.memory_space<vmem>> -> memref<200x128xf32, #tpu.memory_space<vmem>>
        tpu.wait_dma2 semaphore(%arg21 : memref<!tpu.dma_semaphore, #tpu.memory_space<semaphore_mem>>) src(%dma_wait3A_311 : memref<200x128xf32, #tpu.memory_space<vmem>>) dst(%dma_wait3A_308 : memref<200x128xf32, #tpu.memory_space<hbm>>)
        %add3A_312 = arith.constant 1 : i32
        %add3A_313 = arith.addi %add3A_209, %add3A_312 : i32
        %mul3A_314 = arith.constant 200 : i32
        %mul3A_315 = arith.muli %add3A_313, %mul3A_314 : i32
        %mul3A_316 = arith.constant 200 : i32
        %mul3A_317 = arith.muli %add3A_313, %mul3A_316 : i32
        %add3A_318 = arith.constant 128 : i32
        %add3A_319 = arith.addi %mul3A_317, %add3A_318 : i32
        %dma_start3A_320 = arith.constant 0 : i32
        %dma_start3A_321 = arith.constant 0 : i32
        %dma_start3A_322 = tpu.memref_slice %arg9[%dma_start3A_320, %dma_start3A_321] : memref<200x128xf32, #tpu.memory_space<vmem>> -> memref<128x128xf32, #tpu.memory_space<vmem>>
        %dma_start3A_323 = tpu.memref_slice %arg5[%mul3A_315] : memref<12800xi32, #tpu.memory_space<vmem>> -> memref<128xi32, #tpu.memory_space<vmem>>
        %dma_start3A_324 = arith.constant 0 : i32
        %dma_start3A_325 = arith.constant 0 : i32
        %dma_start3A_326 = tpu.memref_slice %arg3[%dma_start3A_324, %dma_start3A_325] : memref<14592x128xf32, #tpu.memory_space<hbm>> -> memref<14592x128xf32, #tpu.memory_space<hbm>>
        tpu.enqueue_indirect_dma source(%dma_start3A_326 : memref<14592x128xf32, #tpu.memory_space<hbm>>) target(%dma_start3A_322 : memref<128x128xf32, #tpu.memory_space<vmem>>) offsets(%dma_start3A_323 : memref<128xi32, #tpu.memory_space<vmem>>) semaphore(%arg19 : memref<!tpu.dma_semaphore, #tpu.memory_space<semaphore_mem>>)
        %dma_start3A_327 = arith.constant 128 : i32
        %dma_start3A_328 = arith.constant 0 : i32
        %dma_start3A_329 = tpu.memref_slice %arg9[%dma_start3A_327, %dma_start3A_328] : memref<200x128xf32, #tpu.memory_space<vmem>> -> memref<72x128xf32, #tpu.memory_space<vmem>>
        %dma_start3A_330 = tpu.memref_slice %arg5[%add3A_319] : memref<12800xi32, #tpu.memory_space<vmem>> -> memref<72xi32, #tpu.memory_space<vmem>>
        %dma_start3A_331 = arith.constant 0 : i32
        %dma_start3A_332 = arith.constant 0 : i32
        %dma_start3A_333 = tpu.memref_slice %arg3[%dma_start3A_331, %dma_start3A_332] : memref<14592x128xf32, #tpu.memory_space<hbm>> -> memref<14592x128xf32, #tpu.memory_space<hbm>>
        tpu.enqueue_indirect_dma source(%dma_start3A_333 : memref<14592x128xf32, #tpu.memory_space<hbm>>) target(%dma_start3A_329 : memref<72x128xf32, #tpu.memory_space<vmem>>) offsets(%dma_start3A_330 : memref<72xi32, #tpu.memory_space<vmem>>) semaphore(%arg20 : memref<!tpu.dma_semaphore, #tpu.memory_space<semaphore_mem>>)
      } else {
      }
      %mul3A_251 = arith.constant 4 : i32
      %mul3A_252 = arith.muli %mul3A_251, %scan3A_120 : i32
      %add3A_253 = arith.constant 3 : i32
      %add3A_254 = arith.addi %mul3A_252, %add3A_253 : i32
      %mul3A_255 = arith.constant 200 : i32
      %mul3A_256 = arith.muli %add3A_254, %mul3A_255 : i32
      %mul3A_257 = arith.constant 200 : i32
      %mul3A_258 = arith.muli %add3A_254, %mul3A_257 : i32
      %add3A_259 = arith.constant 128 : i32
      %add3A_260 = arith.addi %mul3A_258, %add3A_259 : i32
      %dma_wait3A_261 = arith.constant 0 : i32
      %dma_wait3A_262 = arith.constant 0 : i32
      %dma_wait3A_263 = tpu.memref_slice %arg9[%dma_wait3A_261, %dma_wait3A_262] : memref<200x128xf32, #tpu.memory_space<vmem>> -> memref<128x128xf32, #tpu.memory_space<vmem>>
      %dma_wait3A_264 = tpu.memref_slice %arg5[%mul3A_256] : memref<12800xi32, #tpu.memory_space<vmem>> -> memref<128xi32, #tpu.memory_space<vmem>>
      %dma_wait3A_265 = arith.constant 0 : i32
      %dma_wait3A_266 = arith.constant 0 : i32
      %dma_wait3A_267 = tpu.memref_slice %arg3[%dma_wait3A_265, %dma_wait3A_266] : memref<14592x128xf32, #tpu.memory_space<hbm>> -> memref<14592x128xf32, #tpu.memory_space<hbm>>
      tpu.wait_indirect_dma semaphore(%arg19 : memref<!tpu.dma_semaphore, #tpu.memory_space<semaphore_mem>>) src(%dma_wait3A_267 : memref<14592x128xf32, #tpu.memory_space<hbm>>) dst(%dma_wait3A_263 : memref<128x128xf32, #tpu.memory_space<vmem>>)
      %dma_wait3A_268 = arith.constant 128 : i32
      %dma_wait3A_269 = arith.constant 0 : i32
      %dma_wait3A_270 = tpu.memref_slice %arg9[%dma_wait3A_268, %dma_wait3A_269] : memref<200x128xf32, #tpu.memory_space<vmem>> -> memref<72x128xf32, #tpu.memory_space<vmem>>
      %dma_wait3A_271 = tpu.memref_slice %arg5[%add3A_260] : memref<12800xi32, #tpu.memory_space<vmem>> -> memref<72xi32, #tpu.memory_space<vmem>>
      %dma_wait3A_272 = arith.constant 0 : i32
      %dma_wait3A_273 = arith.constant 0 : i32
      %dma_wait3A_274 = tpu.memref_slice %arg3[%dma_wait3A_272, %dma_wait3A_273] : memref<14592x128xf32, #tpu.memory_space<hbm>> -> memref<14592x128xf32, #tpu.memory_space<hbm>>
      tpu.wait_indirect_dma semaphore(%arg20 : memref<!tpu.dma_semaphore, #tpu.memory_space<semaphore_mem>>) src(%dma_wait3A_274 : memref<14592x128xf32, #tpu.memory_space<hbm>>) dst(%dma_wait3A_270 : memref<72x128xf32, #tpu.memory_space<vmem>>)
      %mul3A_275 = arith.constant 200 : i32
      %mul3A_276 = arith.muli %add3A_254, %mul3A_275 : i32
      %add3A_277 = arith.addi %mul3A_4, %mul3A_276 : i32
      %dma_start3A_278 = arith.constant 0 : i32
      %dma_start3A_279 = arith.constant 0 : i32
      %dma_start3A_280 = tpu.memref_slice %arg9[%dma_start3A_278, %dma_start3A_279] : memref<200x128xf32, #tpu.memory_space<vmem>> -> memref<200x128xf32, #tpu.memory_space<vmem>>
      %dma_start3A_281 = arith.constant 0 : i32
      %dma_start3A_282 = tpu.memref_slice %arg4[%add3A_277, %dma_start3A_281] : memref<409600x128xf32, #tpu.memory_space<hbm>> -> memref<200x128xf32, #tpu.memory_space<hbm>>
      %dma_start3A_283 = arith.constant 0 : i32
      %dma_start3A_284 = tpu.memref_slice %arg4[%add3A_277, %dma_start3A_283] : memref<409600x128xf32, #tpu.memory_space<hbm>> -> memref<200x128xf32, #tpu.memory_space<hbm>>
      %dma_start3A_285 = arith.constant 0 : i32
      %dma_start3A_286 = arith.constant 0 : i32
      %dma_start3A_287 = tpu.memref_slice %arg9[%dma_start3A_285, %dma_start3A_286] : memref<200x128xf32, #tpu.memory_space<vmem>> -> memref<200x128xf32, #tpu.memory_space<vmem>>
      tpu.enqueue_dma source(%dma_start3A_287 : memref<200x128xf32, #tpu.memory_space<vmem>>) target(%dma_start3A_284 : memref<200x128xf32, #tpu.memory_space<hbm>>) target_semaphore(%arg21 : memref<!tpu.dma_semaphore, #tpu.memory_space<semaphore_mem>>)
      %ge3A_288 = arith.constant 3 : i32
      %ge3A_289 = arith.cmpi sge, %add3A_254, %ge3A_288 : i32
      %le3A_290 = arith.constant 62 : i32
      %le3A_291 = arith.cmpi sle, %add3A_254, %le3A_290 : i32
      %and3A_292 = arith.andi %ge3A_289, %le3A_291 : i1
      %convert_element_type3A_293 = arith.extui %and3A_292 : i1 to i32
      %cond3A_294 = arith.constant 0 : i32
      %cond3A_295 = arith.cmpi ne, %convert_element_type3A_293, %cond3A_294 : i32
      scf.if %cond3A_295 {
        %add3A_296 = arith.constant 1 : i32
        %add3A_297 = arith.addi %add3A_254, %add3A_296 : i32
        %sub3A = arith.constant 4 : i32
        %sub3A_298 = arith.subi %add3A_297, %sub3A : i32
        %mul3A_299 = arith.constant 200 : i32
        %mul3A_300 = arith.muli %sub3A_298, %mul3A_299 : i32
        %add3A_301 = arith.addi %mul3A_4, %mul3A_300 : i32
        %dma_wait3A_302 = arith.constant 0 : i32
        %dma_wait3A_303 = arith.constant 0 : i32
        %dma_wait3A_304 = tpu.memref_slice %arg6[%dma_wait3A_302, %dma_wait3A_303] : memref<200x128xf32, #tpu.memory_space<vmem>> -> memref<200x128xf32, #tpu.memory_space<vmem>>
        %dma_wait3A_305 = arith.constant 0 : i32
        %dma_wait3A_306 = tpu.memref_slice %arg4[%add3A_301, %dma_wait3A_305] : memref<409600x128xf32, #tpu.memory_space<hbm>> -> memref<200x128xf32, #tpu.memory_space<hbm>>
        %dma_wait3A_307 = arith.constant 0 : i32
        %dma_wait3A_308 = tpu.memref_slice %arg4[%add3A_301, %dma_wait3A_307] : memref<409600x128xf32, #tpu.memory_space<hbm>> -> memref<200x128xf32, #tpu.memory_space<hbm>>
        %dma_wait3A_309 = arith.constant 0 : i32
        %dma_wait3A_310 = arith.constant 0 : i32
        %dma_wait3A_311 = tpu.memref_slice %arg6[%dma_wait3A_309, %dma_wait3A_310] : memref<200x128xf32, #tpu.memory_space<vmem>> -> memref<200x128xf32, #tpu.memory_space<vmem>>
        tpu.wait_dma2 semaphore(%arg12 : memref<!tpu.dma_semaphore, #tpu.memory_space<semaphore_mem>>) src(%dma_wait3A_311 : memref<200x128xf32, #tpu.memory_space<vmem>>) dst(%dma_wait3A_308 : memref<200x128xf32, #tpu.memory_space<hbm>>)
        %add3A_312 = arith.constant 1 : i32
        %add3A_313 = arith.addi %add3A_254, %add3A_312 : i32
        %mul3A_314 = arith.constant 200 : i32
        %mul3A_315 = arith.muli %add3A_313, %mul3A_314 : i32
        %mul3A_316 = arith.constant 200 : i32
        %mul3A_317 = arith.muli %add3A_313, %mul3A_316 : i32
        %add3A_318 = arith.constant 128 : i32
        %add3A_319 = arith.addi %mul3A_317, %add3A_318 : i32
        %dma_start3A_320 = arith.constant 0 : i32
        %dma_start3A_321 = arith.constant 0 : i32
        %dma_start3A_322 = tpu.memref_slice %arg6[%dma_start3A_320, %dma_start3A_321] : memref<200x128xf32, #tpu.memory_space<vmem>> -> memref<128x128xf32, #tpu.memory_space<vmem>>
        %dma_start3A_323 = tpu.memref_slice %arg5[%mul3A_315] : memref<12800xi32, #tpu.memory_space<vmem>> -> memref<128xi32, #tpu.memory_space<vmem>>
        %dma_start3A_324 = arith.constant 0 : i32
        %dma_start3A_325 = arith.constant 0 : i32
        %dma_start3A_326 = tpu.memref_slice %arg3[%dma_start3A_324, %dma_start3A_325] : memref<14592x128xf32, #tpu.memory_space<hbm>> -> memref<14592x128xf32, #tpu.memory_space<hbm>>
        tpu.enqueue_indirect_dma source(%dma_start3A_326 : memref<14592x128xf32, #tpu.memory_space<hbm>>) target(%dma_start3A_322 : memref<128x128xf32, #tpu.memory_space<vmem>>) offsets(%dma_start3A_323 : memref<128xi32, #tpu.memory_space<vmem>>) semaphore(%arg10 : memref<!tpu.dma_semaphore, #tpu.memory_space<semaphore_mem>>)
        %dma_start3A_327 = arith.constant 128 : i32
        %dma_start3A_328 = arith.constant 0 : i32
        %dma_start3A_329 = tpu.memref_slice %arg6[%dma_start3A_327, %dma_start3A_328] : memref<200x128xf32, #tpu.memory_space<vmem>> -> memref<72x128xf32, #tpu.memory_space<vmem>>
        %dma_start3A_330 = tpu.memref_slice %arg5[%add3A_319] : memref<12800xi32, #tpu.memory_space<vmem>> -> memref<72xi32, #tpu.memory_space<vmem>>
        %dma_start3A_331 = arith.constant 0 : i32
        %dma_start3A_332 = arith.constant 0 : i32
        %dma_start3A_333 = tpu.memref_slice %arg3[%dma_start3A_331, %dma_start3A_332] : memref<14592x128xf32, #tpu.memory_space<hbm>> -> memref<14592x128xf32, #tpu.memory_space<hbm>>
        tpu.enqueue_indirect_dma source(%dma_start3A_333 : memref<14592x128xf32, #tpu.memory_space<hbm>>) target(%dma_start3A_329 : memref<72x128xf32, #tpu.memory_space<vmem>>) offsets(%dma_start3A_330 : memref<72xi32, #tpu.memory_space<vmem>>) semaphore(%arg11 : memref<!tpu.dma_semaphore, #tpu.memory_space<semaphore_mem>>)
      } else {
      }
    }
    %scan3A_72 = arith.constant 16 : i32
    %add3A_73 = arith.constant 12000 : i32
    %add3A_74 = arith.addi %mul3A_4, %add3A_73 : i32
    %dma_wait3A = arith.constant 0 : i32
    %dma_wait3A_75 = arith.constant 0 : i32
    %dma_wait3A_76 = tpu.memref_slice %arg6[%dma_wait3A, %dma_wait3A_75] : memref<200x128xf32, #tpu.memory_space<vmem>> -> memref<200x128xf32, #tpu.memory_space<vmem>>
    %dma_wait3A_77 = arith.constant 0 : i32
    %dma_wait3A_78 = tpu.memref_slice %arg4[%add3A_74, %dma_wait3A_77] : memref<409600x128xf32, #tpu.memory_space<hbm>> -> memref<200x128xf32, #tpu.memory_space<hbm>>
    %dma_wait3A_79 = arith.constant 0 : i32
    %dma_wait3A_80 = tpu.memref_slice %arg4[%add3A_74, %dma_wait3A_79] : memref<409600x128xf32, #tpu.memory_space<hbm>> -> memref<200x128xf32, #tpu.memory_space<hbm>>
    %dma_wait3A_81 = arith.constant 0 : i32
    %dma_wait3A_82 = arith.constant 0 : i32
    %dma_wait3A_83 = tpu.memref_slice %arg6[%dma_wait3A_81, %dma_wait3A_82] : memref<200x128xf32, #tpu.memory_space<vmem>> -> memref<200x128xf32, #tpu.memory_space<vmem>>
    tpu.wait_dma2 semaphore(%arg12 : memref<!tpu.dma_semaphore, #tpu.memory_space<semaphore_mem>>) src(%dma_wait3A_83 : memref<200x128xf32, #tpu.memory_space<vmem>>) dst(%dma_wait3A_80 : memref<200x128xf32, #tpu.memory_space<hbm>>)
    %add3A_84 = arith.constant 12200 : i32
    %add3A_85 = arith.addi %mul3A_4, %add3A_84 : i32
    %dma_wait3A_86 = arith.constant 0 : i32
    %dma_wait3A_87 = arith.constant 0 : i32
    %dma_wait3A_88 = tpu.memref_slice %arg7[%dma_wait3A_86, %dma_wait3A_87] : memref<200x128xf32, #tpu.memory_space<vmem>> -> memref<200x128xf32, #tpu.memory_space<vmem>>
    %dma_wait3A_89 = arith.constant 0 : i32
    %dma_wait3A_90 = tpu.memref_slice %arg4[%add3A_85, %dma_wait3A_89] : memref<409600x128xf32, #tpu.memory_space<hbm>> -> memref<200x128xf32, #tpu.memory_space<hbm>>
    %dma_wait3A_91 = arith.constant 0 : i32
    %dma_wait3A_92 = tpu.memref_slice %arg4[%add3A_85, %dma_wait3A_91] : memref<409600x128xf32, #tpu.memory_space<hbm>> -> memref<200x128xf32, #tpu.memory_space<hbm>>
    %dma_wait3A_93 = arith.constant 0 : i32
    %dma_wait3A_94 = arith.constant 0 : i32
    %dma_wait3A_95 = tpu.memref_slice %arg7[%dma_wait3A_93, %dma_wait3A_94] : memref<200x128xf32, #tpu.memory_space<vmem>> -> memref<200x128xf32, #tpu.memory_space<vmem>>
    tpu.wait_dma2 semaphore(%arg15 : memref<!tpu.dma_semaphore, #tpu.memory_space<semaphore_mem>>) src(%dma_wait3A_95 : memref<200x128xf32, #tpu.memory_space<vmem>>) dst(%dma_wait3A_92 : memref<200x128xf32, #tpu.memory_space<hbm>>)
    %add3A_96 = arith.constant 12400 : i32
    %add3A_97 = arith.addi %mul3A_4, %add3A_96 : i32
    %dma_wait3A_98 = arith.constant 0 : i32
    %dma_wait3A_99 = arith.constant 0 : i32
    %dma_wait3A_100 = tpu.memref_slice %arg8[%dma_wait3A_98, %dma_wait3A_99] : memref<200x128xf32, #tpu.memory_space<vmem>> -> memref<200x128xf32, #tpu.memory_space<vmem>>
    %dma_wait3A_101 = arith.constant 0 : i32
    %dma_wait3A_102 = tpu.memref_slice %arg4[%add3A_97, %dma_wait3A_101] : memref<409600x128xf32, #tpu.memory_space<hbm>> -> memref<200x128xf32, #tpu.memory_space<hbm>>
    %dma_wait3A_103 = arith.constant 0 : i32
    %dma_wait3A_104 = tpu.memref_slice %arg4[%add3A_97, %dma_wait3A_103] : memref<409600x128xf32, #tpu.memory_space<hbm>> -> memref<200x128xf32, #tpu.memory_space<hbm>>
    %dma_wait3A_105 = arith.constant 0 : i32
    %dma_wait3A_106 = arith.constant 0 : i32
    %dma_wait3A_107 = tpu.memref_slice %arg8[%dma_wait3A_105, %dma_wait3A_106] : memref<200x128xf32, #tpu.memory_space<vmem>> -> memref<200x128xf32, #tpu.memory_space<vmem>>
    tpu.wait_dma2 semaphore(%arg18 : memref<!tpu.dma_semaphore, #tpu.memory_space<semaphore_mem>>) src(%dma_wait3A_107 : memref<200x128xf32, #tpu.memory_space<vmem>>) dst(%dma_wait3A_104 : memref<200x128xf32, #tpu.memory_space<hbm>>)
    %add3A_108 = arith.constant 12600 : i32
    %add3A_109 = arith.addi %mul3A_4, %add3A_108 : i32
    %dma_wait3A_110 = arith.constant 0 : i32
    %dma_wait3A_111 = arith.constant 0 : i32
    %dma_wait3A_112 = tpu.memref_slice %arg9[%dma_wait3A_110, %dma_wait3A_111] : memref<200x128xf32, #tpu.memory_space<vmem>> -> memref<200x128xf32, #tpu.memory_space<vmem>>
    %dma_wait3A_113 = arith.constant 0 : i32
    %dma_wait3A_114 = tpu.memref_slice %arg4[%add3A_109, %dma_wait3A_113] : memref<409600x128xf32, #tpu.memory_space<hbm>> -> memref<200x128xf32, #tpu.memory_space<hbm>>
    %dma_wait3A_115 = arith.constant 0 : i32
    %dma_wait3A_116 = tpu.memref_slice %arg4[%add3A_109, %dma_wait3A_115] : memref<409600x128xf32, #tpu.memory_space<hbm>> -> memref<200x128xf32, #tpu.memory_space<hbm>>
    %dma_wait3A_117 = arith.constant 0 : i32
    %dma_wait3A_118 = arith.constant 0 : i32
    %dma_wait3A_119 = tpu.memref_slice %arg9[%dma_wait3A_117, %dma_wait3A_118] : memref<200x128xf32, #tpu.memory_space<vmem>> -> memref<200x128xf32, #tpu.memory_space<vmem>>
    tpu.wait_dma2 semaphore(%arg21 : memref<!tpu.dma_semaphore, #tpu.memory_space<semaphore_mem>>) src(%dma_wait3A_119 : memref<200x128xf32, #tpu.memory_space<vmem>>) dst(%dma_wait3A_116 : memref<200x128xf32, #tpu.memory_space<hbm>>)
    return
  }
}

module attributes {stable_mosaic.version = 14 : i64} {
  func.func @_pair_index_body(%arg0: i32, %arg1: memref<512x200xi32, #tpu.memory_space<vmem>>, %arg2: memref<512x4xi32, #tpu.memory_space<vmem>>, %arg3: memref<512x100xi32, #tpu.memory_space<vmem>>) attributes {dimension_semantics = [#tpu.dimension_semantics<arbitrary>], iteration_bounds = array<i64: 8>, scalar_prefetch = 0 : i64, scratch_operands = 0 : i64, tpu.core_type = #tpu.core_type<tc>, window_params = [{transform_indices = @transform_0, window_bounds = array<i64: 512, 200>}, {transform_indices = @transform_1, window_bounds = array<i64: 512, 4>}, {transform_indices = @transform_2, window_bounds = array<i64: 512, 100>}]} {
    %get3A = arith.constant 0 : index
    %get3A_0 = arith.constant 0 : index
    %get3A_1 = vector.load %arg1[%get3A, %get3A_0] : memref<512x200xi32, #tpu.memory_space<vmem>>, vector<512x200xi32>
    %eq3A = arith.constant 0 : i32
    %eq3A_2 = vector.broadcast %eq3A : i32 to vector<512x200xi32>
    %eq3A_3 = arith.cmpi eq, %get3A_1, %eq3A_2 : vector<512x200xi32>
    %eq3A_4 = arith.constant 10 : i32
    %eq3A_5 = vector.broadcast %eq3A_4 : i32 to vector<512x200xi32>
    %eq3A_6 = arith.cmpi eq, %get3A_1, %eq3A_5 : vector<512x200xi32>
    %or3A = arith.ori %eq3A_3, %eq3A_6 : vector<512x200xi1>
    %eq3A_7 = arith.constant 20 : i32
    %eq3A_8 = vector.broadcast %eq3A_7 : i32 to vector<512x200xi32>
    %eq3A_9 = arith.cmpi eq, %get3A_1, %eq3A_8 : vector<512x200xi32>
    %or3A_10 = arith.ori %or3A, %eq3A_9 : vector<512x200xi1>
    %sub3A = arith.constant 1 : i32
    %sub3A_11 = vector.broadcast %sub3A : i32 to vector<512x200xi32>
    %sub3A_12 = arith.subi %get3A_1, %sub3A_11 : vector<512x200xi32>
    %gt3A = arith.constant 10 : i32
    %gt3A_13 = vector.broadcast %gt3A : i32 to vector<512x200xi32>
    %gt3A_14 = arith.cmpi sgt, %get3A_1, %gt3A_13 : vector<512x200xi32>
    %jit3A = arith.constant 1 : i32
    %jit3A_15 = arith.constant 0 : i32
    %broadcast_in_dim3A = vector.broadcast %jit3A : i32 to vector<512x200xi32>
    %broadcast_in_dim3A_16 = vector.broadcast %jit3A_15 : i32 to vector<512x200xi32>
    %select_n3A = arith.select %gt3A_14, %broadcast_in_dim3A, %broadcast_in_dim3A_16 : vector<512x200xi1>, vector<512x200xi32>
    %sub3A_17 = arith.subi %sub3A_12, %select_n3A : vector<512x200xi32>
    %gt3A_18 = arith.constant 20 : i32
    %gt3A_19 = vector.broadcast %gt3A_18 : i32 to vector<512x200xi32>
    %gt3A_20 = arith.cmpi sgt, %get3A_1, %gt3A_19 : vector<512x200xi32>
    %jit3A_21 = arith.constant 1 : i32
    %jit3A_22 = arith.constant 0 : i32
    %broadcast_in_dim3A_23 = vector.broadcast %jit3A_21 : i32 to vector<512x200xi32>
    %broadcast_in_dim3A_24 = vector.broadcast %jit3A_22 : i32 to vector<512x200xi32>
    %select_n3A_25 = arith.select %gt3A_20, %broadcast_in_dim3A_23, %broadcast_in_dim3A_24 : vector<512x200xi1>, vector<512x200xi32>
    %sub3A_26 = arith.subi %sub3A_17, %select_n3A_25 : vector<512x200xi32>
    %eq3A_27 = arith.constant 0 : i32
    %eq3A_28 = vector.broadcast %eq3A_27 : i32 to vector<512x200xi32>
    %eq3A_29 = arith.cmpi eq, %get3A_1, %eq3A_28 : vector<512x200xi32>
    %eq3A_30 = arith.constant 10 : i32
    %eq3A_31 = vector.broadcast %eq3A_30 : i32 to vector<512x200xi32>
    %eq3A_32 = arith.cmpi eq, %get3A_1, %eq3A_31 : vector<512x200xi32>
    %eq3A_33 = arith.constant 20 : i32
    %eq3A_34 = vector.broadcast %eq3A_33 : i32 to vector<512x200xi32>
    %eq3A_35 = arith.cmpi eq, %get3A_1, %eq3A_34 : vector<512x200xi32>
    %ge3A = arith.constant 37 : i32
    %ge3A_36 = vector.broadcast %ge3A : i32 to vector<512x200xi32>
    %ge3A_37 = arith.cmpi sge, %get3A_1, %ge3A_36 : vector<512x200xi32>
    %jit3A_38 = arith.constant 34 : i32
    %broadcast_in_dim3A_39 = vector.broadcast %jit3A_38 : i32 to vector<512x200xi32>
    %select_n3A_40 = arith.select %ge3A_37, %broadcast_in_dim3A_39, %sub3A_26 : vector<512x200xi1>, vector<512x200xi32>
    %jit3A_41 = arith.constant 22 : i32
    %broadcast_in_dim3A_42 = vector.broadcast %jit3A_41 : i32 to vector<512x200xi32>
    %select_n3A_43 = arith.select %eq3A_35, %broadcast_in_dim3A_42, %select_n3A_40 : vector<512x200xi1>, vector<512x200xi32>
    %jit3A_44 = arith.constant 13 : i32
    %broadcast_in_dim3A_45 = vector.broadcast %jit3A_44 : i32 to vector<512x200xi32>
    %select_n3A_46 = arith.select %eq3A_32, %broadcast_in_dim3A_45, %select_n3A_43 : vector<512x200xi1>, vector<512x200xi32>
    %jit3A_47 = arith.constant 4 : i32
    %broadcast_in_dim3A_48 = vector.broadcast %jit3A_47 : i32 to vector<512x200xi32>
    %select_n3A_49 = arith.select %eq3A_29, %broadcast_in_dim3A_48, %select_n3A_46 : vector<512x200xi1>, vector<512x200xi32>
    %get3A_50 = arith.constant 0 : index
    %get3A_51 = arith.constant 0 : index
    %get3A_52 = vector.load %arg2[%get3A_50, %get3A_51] : memref<512x4xi32, #tpu.memory_space<vmem>>, vector<512x1xi32>
    %eq3A_53 = vector.broadcast %get3A_52 : vector<512x1xi32> to vector<512x200xi32>
    %eq3A_54 = arith.cmpi eq, %select_n3A_49, %eq3A_53 : vector<512x200xi32>
    %get3A_55 = arith.constant 0 : index
    %get3A_56 = arith.constant 1 : index
    %get3A_57 = vector.load %arg2[%get3A_55, %get3A_56] : memref<512x4xi32, #tpu.memory_space<vmem>>, vector<512x1xi32>
    %eq3A_58 = vector.broadcast %get3A_57 : vector<512x1xi32> to vector<512x200xi32>
    %eq3A_59 = arith.cmpi eq, %select_n3A_49, %eq3A_58 : vector<512x200xi32>
    %or3A_60 = arith.ori %eq3A_54, %eq3A_59 : vector<512x200xi1>
    %get3A_61 = arith.constant 0 : index
    %get3A_62 = arith.constant 2 : index
    %get3A_63 = vector.load %arg2[%get3A_61, %get3A_62] : memref<512x4xi32, #tpu.memory_space<vmem>>, vector<512x1xi32>
    %eq3A_64 = vector.broadcast %get3A_63 : vector<512x1xi32> to vector<512x200xi32>
    %eq3A_65 = arith.cmpi eq, %select_n3A_49, %eq3A_64 : vector<512x200xi32>
    %or3A_66 = arith.ori %or3A_60, %eq3A_65 : vector<512x200xi1>
    %get3A_67 = arith.constant 0 : index
    %get3A_68 = arith.constant 3 : index
    %get3A_69 = vector.load %arg2[%get3A_67, %get3A_68] : memref<512x4xi32, #tpu.memory_space<vmem>>, vector<512x1xi32>
    %eq3A_70 = vector.broadcast %get3A_69 : vector<512x1xi32> to vector<512x200xi32>
    %eq3A_71 = arith.cmpi eq, %select_n3A_49, %eq3A_70 : vector<512x200xi32>
    %or3A_72 = arith.ori %or3A_66, %eq3A_71 : vector<512x200xi1>
    %eq3A_73 = arith.constant 37 : i32
    %eq3A_74 = vector.broadcast %eq3A_73 : i32 to vector<512x200xi32>
    %eq3A_75 = arith.cmpi eq, %get3A_1, %eq3A_74 : vector<512x200xi32>
    %or3A_76 = arith.ori %or3A_10, %or3A_72 : vector<512x200xi1>
    %jit3A_77 = arith.constant 0 : i32
    %jit3A_78 = arith.constant 1 : i32
    %broadcast_in_dim3A_79 = vector.broadcast %jit3A_77 : i32 to vector<512x200xi32>
    %broadcast_in_dim3A_80 = vector.broadcast %jit3A_78 : i32 to vector<512x200xi32>
    %select_n3A_81 = arith.select %or3A_76, %broadcast_in_dim3A_79, %broadcast_in_dim3A_80 : vector<512x200xi1>, vector<512x200xi32>
    %jit3A_82 = arith.constant 2 : i32
    %broadcast_in_dim3A_83 = vector.broadcast %jit3A_82 : i32 to vector<512x200xi32>
    %select_n3A_84 = arith.select %eq3A_75, %broadcast_in_dim3A_83, %select_n3A_81 : vector<512x200xi1>, vector<512x200xi32>
    %mul3A = arith.constant 3 : i32
    %mul3A_85 = vector.broadcast %mul3A : i32 to vector<512x200xi32>
    %mul3A_86 = arith.muli %get3A_1, %mul3A_85 : vector<512x200xi32>
    %add3A = arith.addi %select_n3A_84, %mul3A_86 : vector<512x200xi32>
    %convert_element_type3A = arith.sitofp %add3A : vector<512x200xi32> to vector<512x200xf32>
    %iota3A = tpu.iota {dimensions = array<i32: 0>} : vector<200x100xi32>
    %iota3A_87 = tpu.iota {dimensions = array<i32: 1>} : vector<200x100xi32>
    %mul3A_88 = arith.constant 2 : i32
    %mul3A_89 = vector.broadcast %mul3A_88 : i32 to vector<200x100xi32>
    %mul3A_90 = arith.muli %mul3A_89, %iota3A_87 : vector<200x100xi32>
    %eq3A_91 = arith.cmpi eq, %iota3A, %mul3A_90 : vector<200x100xi32>
    %convert_element_type3A_92 = arith.extui %eq3A_91 : vector<200x100xi1> to vector<200x100xi32>
    %convert_element_type3A_93 = arith.sitofp %convert_element_type3A_92 : vector<200x100xi32> to vector<200x100xf32>
    %mul3A_94 = arith.constant 2 : i32
    %mul3A_95 = vector.broadcast %mul3A_94 : i32 to vector<200x100xi32>
    %mul3A_96 = arith.muli %mul3A_95, %iota3A_87 : vector<200x100xi32>
    %add3A_97 = arith.constant 1 : i32
    %add3A_98 = vector.broadcast %add3A_97 : i32 to vector<200x100xi32>
    %add3A_99 = arith.addi %mul3A_96, %add3A_98 : vector<200x100xi32>
    %eq3A_100 = arith.cmpi eq, %iota3A, %add3A_99 : vector<200x100xi32>
    %convert_element_type3A_101 = arith.extui %eq3A_100 : vector<200x100xi1> to vector<200x100xi32>
    %convert_element_type3A_102 = arith.sitofp %convert_element_type3A_101 : vector<200x100xi32> to vector<200x100xf32>
    %dot_general3A = arith.constant dense<0.000000e+00> : vector<512x100xf32>
    %dot_general3A_103 = tpu.matmul %convert_element_type3A, %convert_element_type3A_93, %dot_general3A {dimension_numbers = #tpu.dot_dimension_numbers<[1], [0], [0], [1], [0, 0, 1, 1], [], []>, transpose_lhs_hint = false} : vector<512x200xf32>, vector<200x100xf32>, vector<512x100xf32> -> vector<512x100xf32>
    %dot_general3A_104 = arith.constant dense<0.000000e+00> : vector<512x100xf32>
    %dot_general3A_105 = tpu.matmul %convert_element_type3A, %convert_element_type3A_102, %dot_general3A_104 {dimension_numbers = #tpu.dot_dimension_numbers<[1], [0], [0], [1], [0, 0, 1, 1], [], []>, transpose_lhs_hint = false} : vector<512x200xf32>, vector<200x100xf32>, vector<512x100xf32> -> vector<512x100xf32>
    %mul3A_106 = arith.constant 1.280000e+02 : f32
    %mul3A_107 = vector.broadcast %mul3A_106 : f32 to vector<512x100xf32>
    %mul3A_108 = arith.mulf %dot_general3A_103, %mul3A_107 : vector<512x100xf32>
    %add3A_109 = arith.addf %mul3A_108, %dot_general3A_105 : vector<512x100xf32>
    %convert_element_type3A_110 = arith.fptosi %add3A_109 : vector<512x100xf32> to vector<512x100xi32>
    %swap3A = arith.constant 0 : index
    %swap3A_111 = arith.constant 0 : index
    %swap3A_112 = vector.load %arg3[%swap3A, %swap3A_111] : memref<512x100xi32, #tpu.memory_space<vmem>>, vector<512x100xi32>
    tpu.vector_store %arg3[%swap3A, %swap3A_111], %convert_element_type3A_110 {strides = array<i32>} : memref<512x100xi32, #tpu.memory_space<vmem>>, vector<512x100xi32>,
    return
  }
  func.func @transform_0(%arg0: i32) -> (i32, i32) {
    %c0_i32 = arith.constant 0 : i32
    %c0_i32_0 = arith.constant 0 : i32
    return %arg0, %c0_i32 : i32, i32
  }
  func.func @transform_1(%arg0: i32) -> (i32, i32) {
    %c0_i32 = arith.constant 0 : i32
    %c0_i32_0 = arith.constant 0 : i32
    return %arg0, %c0_i32 : i32, i32
  }
  func.func @transform_2(%arg0: i32) -> (i32, i32) {
    %c0_i32 = arith.constant 0 : i32
    %c0_i32_0 = arith.constant 0 : i32
    return %arg0, %c0_i32 : i32, i32
  }
}

module attributes {stable_mosaic.version = 14 : i64} {
  func.func @_pair_table_body(%arg0: i32, %arg1: memref<35x16xf32, #tpu.memory_space<vmem>>, %arg2: memref<5x16xf32, #tpu.memory_space<vmem>>, %arg3: memref<11x16xf32, #tpu.memory_space<vmem>>, %arg4: memref<9x16xf32, #tpu.memory_space<vmem>>, %arg5: memref<3x16xf32, #tpu.memory_space<vmem>>, %arg6: memref<5x16xf32, #tpu.memory_space<vmem>>, %arg7: memref<3x16xf32, #tpu.memory_space<vmem>>, %arg8: memref<112x64xf32, #tpu.memory_space<vmem>>, %arg9: memref<1x64xf32, #tpu.memory_space<vmem>>, %arg10: memref<1x64xf32, #tpu.memory_space<vmem>>, %arg11: memref<1x64xf32, #tpu.memory_space<vmem>>, %arg12: memref<1824x128xf32, #tpu.memory_space<vmem>>) attributes {dimension_semantics = [#tpu.dimension_semantics<arbitrary>], iteration_bounds = array<i64: 8>, scalar_prefetch = 0 : i64, scratch_operands = 0 : i64, tpu.core_type = #tpu.core_type<tc>, window_params = [{pipeline_mode = #tpu.pipeline_mode<synchronous>, transform_indices = @transform_0, window_bounds = array<i64: 35, 16>}, {pipeline_mode = #tpu.pipeline_mode<synchronous>, transform_indices = @transform_1, window_bounds = array<i64: 5, 16>}, {pipeline_mode = #tpu.pipeline_mode<synchronous>, transform_indices = @transform_2, window_bounds = array<i64: 11, 16>}, {pipeline_mode = #tpu.pipeline_mode<synchronous>, transform_indices = @transform_3, window_bounds = array<i64: 9, 16>}, {pipeline_mode = #tpu.pipeline_mode<synchronous>, transform_indices = @transform_4, window_bounds = array<i64: 3, 16>}, {pipeline_mode = #tpu.pipeline_mode<synchronous>, transform_indices = @transform_5, window_bounds = array<i64: 5, 16>}, {pipeline_mode = #tpu.pipeline_mode<synchronous>, transform_indices = @transform_6, window_bounds = array<i64: 3, 16>}, {pipeline_mode = #tpu.pipeline_mode<synchronous>, transform_indices = @transform_7, window_bounds = array<i64: 112, 64>}, {pipeline_mode = #tpu.pipeline_mode<synchronous>, transform_indices = @transform_8, window_bounds = array<i64: 1, 64>}, {pipeline_mode = #tpu.pipeline_mode<synchronous>, transform_indices = @transform_9, window_bounds = array<i64: 1, 64>}, {pipeline_mode = #tpu.pipeline_mode<synchronous>, transform_indices = @transform_10, window_bounds = array<i64: 1, 64>}, {transform_indices = @transform_11, window_bounds = array<i64: 1824, 128>}]} {
    %iota3A = tpu.iota {dimensions = array<i32: 0>} : vector<128x1xi32>
    %jit3A = arith.constant 3 : i32
    %div3A = vector.broadcast %jit3A : i32 to vector<128x1xi32>
    %div3A_0 = arith.divsi %iota3A, %div3A : vector<128x1xi32>
    %sign3A = arith.constant 0 : i32
    %sign3A_1 = vector.broadcast %sign3A : i32 to vector<128x1xi32>
    %sign3A_2 = arith.cmpi sgt, %iota3A, %sign3A_1 : vector<128x1xi32>
    %sign3A_3 = arith.extui %sign3A_2 : vector<128x1xi1> to vector<128x1xi32>
    %sign3A_4 = arith.constant 0 : i32
    %sign3A_5 = vector.broadcast %sign3A_4 : i32 to vector<128x1xi32>
    %sign3A_6 = arith.cmpi slt, %iota3A, %sign3A_5 : vector<128x1xi32>
    %sign3A_7 = arith.extui %sign3A_6 : vector<128x1xi1> to vector<128x1xi32>
    %sign3A_8 = arith.subi %sign3A_3, %sign3A_7 : vector<128x1xi32>
    %sign3A_9 = arith.constant 0 : i32
    %sign3A_10 = arith.cmpi sgt, %jit3A, %sign3A_9 : i32
    %sign3A_11 = arith.extui %sign3A_10 : i1 to i32
    %sign3A_12 = arith.constant 0 : i32
    %sign3A_13 = arith.cmpi slt, %jit3A, %sign3A_12 : i32
    %sign3A_14 = arith.extui %sign3A_13 : i1 to i32
    %sign3A_15 = arith.subi %sign3A_11, %sign3A_14 : i32
    %ne3A = vector.broadcast %sign3A_15 : i32 to vector<128x1xi32>
    %ne3A_16 = arith.cmpi ne, %sign3A_8, %ne3A : vector<128x1xi32>
    %rem3A = vector.broadcast %jit3A : i32 to vector<128x1xi32>
    %rem3A_17 = arith.remsi %iota3A, %rem3A : vector<128x1xi32>
    %ne3A_18 = arith.constant 0 : i32
    %ne3A_19 = vector.broadcast %ne3A_18 : i32 to vector<128x1xi32>
    %ne3A_20 = arith.cmpi ne, %rem3A_17, %ne3A_19 : vector<128x1xi32>
    %and3A = arith.andi %ne3A_16, %ne3A_20 : vector<128x1xi1>
    %sub3A = arith.constant 1 : i32
    %sub3A_21 = vector.broadcast %sub3A : i32 to vector<128x1xi32>
    %sub3A_22 = arith.subi %div3A_0, %sub3A_21 : vector<128x1xi32>
    %select_n3A = arith.select %and3A, %sub3A_22, %div3A_0 : vector<128x1xi1>, vector<128x1xi32>
    %min3A = arith.constant 37 : i32
    %min3A_23 = vector.broadcast %min3A : i32 to vector<128x1xi32>
    %min3A_24 = arith.minsi %select_n3A, %min3A_23 : vector<128x1xi32>
    %jit3A_25 = arith.constant 3 : i32
    %eq3A = arith.constant 0 : i32
    %eq3A_26 = arith.cmpi eq, %jit3A_25, %eq3A : i32
    %jit3A_27 = arith.constant 1 : i32
    %select_n3A_28 = arith.select %eq3A_26, %jit3A_27, %jit3A_25 : i32
    %rem3A_29 = vector.broadcast %select_n3A_28 : i32 to vector<128x1xi32>
    %rem3A_30 = arith.remsi %iota3A, %rem3A_29 : vector<128x1xi32>
    %ne3A_31 = arith.constant 0 : i32
    %ne3A_32 = vector.broadcast %ne3A_31 : i32 to vector<128x1xi32>
    %ne3A_33 = arith.cmpi ne, %rem3A_30, %ne3A_32 : vector<128x1xi32>
    %lt3A = arith.constant 0 : i32
    %lt3A_34 = vector.broadcast %lt3A : i32 to vector<128x1xi32>
    %lt3A_35 = arith.cmpi slt, %rem3A_30, %lt3A_34 : vector<128x1xi32>
    %lt3A_36 = arith.constant 0 : i32
    %lt3A_37 = arith.cmpi slt, %select_n3A_28, %lt3A_36 : i32
    %ne3A_38 = vector.broadcast %lt3A_37 : i1 to vector<128x1xi1>
    %ne3A_39 = vector.broadcast %ne3A_38 : vector<128x1xi1> to vector<128x1xi1>
    %ne3A_40 = arith.xori %lt3A_35, %ne3A_39 : vector<128x1xi1>
    %and3A_41 = arith.andi %ne3A_40, %ne3A_33 : vector<128x1xi1>
    %add3A = vector.broadcast %select_n3A_28 : i32 to vector<128x1xi32>
    %add3A_42 = arith.addi %rem3A_30, %add3A : vector<128x1xi32>
    %select_n3A_43 = arith.select %and3A_41, %add3A_42, %rem3A_30 : vector<128x1xi1>, vector<128x1xi32>
    %eq3A_44 = arith.constant 0 : i32
    %eq3A_45 = vector.broadcast %eq3A_44 : i32 to vector<128x1xi32>
    %eq3A_46 = arith.cmpi eq, %min3A_24, %eq3A_45 : vector<128x1xi32>
    %eq3A_47 = arith.constant 10 : i32
    %eq3A_48 = vector.broadcast %eq3A_47 : i32 to vector<128x1xi32>
    %eq3A_49 = arith.cmpi eq, %min3A_24, %eq3A_48 : vector<128x1xi32>
    %or3A = arith.ori %eq3A_46, %eq3A_49 : vector<128x1xi1>
    %eq3A_50 = arith.constant 20 : i32
    %eq3A_51 = vector.broadcast %eq3A_50 : i32 to vector<128x1xi32>
    %eq3A_52 = arith.cmpi eq, %min3A_24, %eq3A_51 : vector<128x1xi32>
    %or3A_53 = arith.ori %or3A, %eq3A_52 : vector<128x1xi1>
    %sub3A_54 = arith.constant 1 : i32
    %sub3A_55 = vector.broadcast %sub3A_54 : i32 to vector<128x1xi32>
    %sub3A_56 = arith.subi %min3A_24, %sub3A_55 : vector<128x1xi32>
    %gt3A = arith.constant 10 : i32
    %gt3A_57 = vector.broadcast %gt3A : i32 to vector<128x1xi32>
    %gt3A_58 = arith.cmpi sgt, %min3A_24, %gt3A_57 : vector<128x1xi32>
    %jit3A_59 = arith.constant 1 : i32
    %jit3A_60 = arith.constant 0 : i32
    %broadcast_in_dim3A = vector.broadcast %jit3A_59 : i32 to vector<128x1xi32>
    %broadcast_in_dim3A_61 = vector.broadcast %jit3A_60 : i32 to vector<128x1xi32>
    %select_n3A_62 = arith.select %gt3A_58, %broadcast_in_dim3A, %broadcast_in_dim3A_61 : vector<128x1xi1>, vector<128x1xi32>
    %sub3A_63 = arith.subi %sub3A_56, %select_n3A_62 : vector<128x1xi32>
    %gt3A_64 = arith.constant 20 : i32
    %gt3A_65 = vector.broadcast %gt3A_64 : i32 to vector<128x1xi32>
    %gt3A_66 = arith.cmpi sgt, %min3A_24, %gt3A_65 : vector<128x1xi32>
    %jit3A_67 = arith.constant 1 : i32
    %jit3A_68 = arith.constant 0 : i32
    %broadcast_in_dim3A_69 = vector.broadcast %jit3A_67 : i32 to vector<128x1xi32>
    %broadcast_in_dim3A_70 = vector.broadcast %jit3A_68 : i32 to vector<128x1xi32>
    %select_n3A_71 = arith.select %gt3A_66, %broadcast_in_dim3A_69, %broadcast_in_dim3A_70 : vector<128x1xi1>, vector<128x1xi32>
    %sub3A_72 = arith.subi %sub3A_63, %select_n3A_71 : vector<128x1xi32>
    %eq3A_73 = arith.constant 0 : i32
    %eq3A_74 = vector.broadcast %eq3A_73 : i32 to vector<128x1xi32>
    %eq3A_75 = arith.cmpi eq, %min3A_24, %eq3A_74 : vector<128x1xi32>
    %eq3A_76 = arith.constant 10 : i32
    %eq3A_77 = vector.broadcast %eq3A_76 : i32 to vector<128x1xi32>
    %eq3A_78 = arith.cmpi eq, %min3A_24, %eq3A_77 : vector<128x1xi32>
    %eq3A_79 = arith.constant 20 : i32
    %eq3A_80 = vector.broadcast %eq3A_79 : i32 to vector<128x1xi32>
    %eq3A_81 = arith.cmpi eq, %min3A_24, %eq3A_80 : vector<128x1xi32>
    %ge3A = arith.constant 37 : i32
    %ge3A_82 = vector.broadcast %ge3A : i32 to vector<128x1xi32>
    %ge3A_83 = arith.cmpi sge, %min3A_24, %ge3A_82 : vector<128x1xi32>
    %jit3A_84 = arith.constant 34 : i32
    %broadcast_in_dim3A_85 = vector.broadcast %jit3A_84 : i32 to vector<128x1xi32>
    %select_n3A_86 = arith.select %ge3A_83, %broadcast_in_dim3A_85, %sub3A_72 : vector<128x1xi1>, vector<128x1xi32>
    %jit3A_87 = arith.constant 22 : i32
    %broadcast_in_dim3A_88 = vector.broadcast %jit3A_87 : i32 to vector<128x1xi32>
    %select_n3A_89 = arith.select %eq3A_81, %broadcast_in_dim3A_88, %select_n3A_86 : vector<128x1xi1>, vector<128x1xi32>
    %jit3A_90 = arith.constant 13 : i32
    %broadcast_in_dim3A_91 = vector.broadcast %jit3A_90 : i32 to vector<128x1xi32>
    %select_n3A_92 = arith.select %eq3A_78, %broadcast_in_dim3A_91, %select_n3A_89 : vector<128x1xi1>, vector<128x1xi32>
    %jit3A_93 = arith.constant 4 : i32
    %broadcast_in_dim3A_94 = vector.broadcast %jit3A_93 : i32 to vector<128x1xi32>
    %select_n3A_95 = arith.select %eq3A_75, %broadcast_in_dim3A_94, %select_n3A_92 : vector<128x1xi1>, vector<128x1xi32>
    %eq3A_96 = arith.constant 34 : i32
    %eq3A_97 = vector.broadcast %eq3A_96 : i32 to vector<128x1xi32>
    %eq3A_98 = arith.cmpi eq, %select_n3A_95, %eq3A_97 : vector<128x1xi32>
    %le3A = arith.constant 8 : i32
    %le3A_99 = vector.broadcast %le3A : i32 to vector<128x1xi32>
    %le3A_100 = arith.cmpi sle, %select_n3A_95, %le3A_99 : vector<128x1xi32>
    %le3A_101 = arith.constant 17 : i32
    %le3A_102 = vector.broadcast %le3A_101 : i32 to vector<128x1xi32>
    %le3A_103 = arith.cmpi sle, %select_n3A_95, %le3A_102 : vector<128x1xi32>
    %le3A_104 = arith.constant 26 : i32
    %le3A_105 = vector.broadcast %le3A_104 : i32 to vector<128x1xi32>
    %le3A_106 = arith.cmpi sle, %select_n3A_95, %le3A_105 : vector<128x1xi32>
    %jit3A_107 = arith.constant 2 : i32
    %jit3A_108 = arith.constant 3 : i32
    %broadcast_in_dim3A_109 = vector.broadcast %jit3A_107 : i32 to vector<128x1xi32>
    %broadcast_in_dim3A_110 = vector.broadcast %jit3A_108 : i32 to vector<128x1xi32>
    %select_n3A_111 = arith.select %le3A_106, %broadcast_in_dim3A_109, %broadcast_in_dim3A_110 : vector<128x1xi1>, vector<128x1xi32>
    %jit3A_112 = arith.constant 1 : i32
    %broadcast_in_dim3A_113 = vector.broadcast %jit3A_112 : i32 to vector<128x1xi32>
    %select_n3A_114 = arith.select %le3A_103, %broadcast_in_dim3A_113, %select_n3A_111 : vector<128x1xi1>, vector<128x1xi32>
    %jit3A_115 = arith.constant 0 : i32
    %broadcast_in_dim3A_116 = vector.broadcast %jit3A_115 : i32 to vector<128x1xi32>
    %select_n3A_117 = arith.select %le3A_100, %broadcast_in_dim3A_116, %select_n3A_114 : vector<128x1xi1>, vector<128x1xi32>
    %jit3A_118 = arith.constant 4 : i32
    %broadcast_in_dim3A_119 = vector.broadcast %jit3A_118 : i32 to vector<128x1xi32>
    %select_n3A_120 = arith.select %eq3A_98, %broadcast_in_dim3A_119, %select_n3A_117 : vector<128x1xi1>, vector<128x1xi32>
    %mul3A = arith.constant 9 : i32
    %mul3A_121 = vector.broadcast %mul3A : i32 to vector<128x1xi32>
    %mul3A_122 = arith.muli %select_n3A_120, %mul3A_121 : vector<128x1xi32>
    %sub3A_123 = arith.subi %select_n3A_95, %mul3A_122 : vector<128x1xi32>
    %le3A_124 = arith.constant 26 : i32
    %le3A_125 = vector.broadcast %le3A_124 : i32 to vector<128x1xi32>
    %le3A_126 = arith.cmpi sle, %select_n3A_95, %le3A_125 : vector<128x1xi32>
    %le3A_127 = arith.constant 33 : i32
    %le3A_128 = vector.broadcast %le3A_127 : i32 to vector<128x1xi32>
    %le3A_129 = arith.cmpi sle, %select_n3A_95, %le3A_128 : vector<128x1xi32>
    %jit3A_130 = arith.constant 9 : i32
    %jit3A_131 = arith.constant 10 : i32
    %broadcast_in_dim3A_132 = vector.broadcast %jit3A_130 : i32 to vector<128x1xi32>
    %broadcast_in_dim3A_133 = vector.broadcast %jit3A_131 : i32 to vector<128x1xi32>
    %select_n3A_134 = arith.select %le3A_129, %broadcast_in_dim3A_132, %broadcast_in_dim3A_133 : vector<128x1xi1>, vector<128x1xi32>
    %select_n3A_135 = arith.select %le3A_126, %sub3A_123, %select_n3A_134 : vector<128x1xi1>, vector<128x1xi32>
    %le3A_136 = arith.constant 26 : i32
    %le3A_137 = vector.broadcast %le3A_136 : i32 to vector<128x1xi32>
    %le3A_138 = arith.cmpi sle, %select_n3A_95, %le3A_137 : vector<128x1xi32>
    %le3A_139 = arith.constant 33 : i32
    %le3A_140 = vector.broadcast %le3A_139 : i32 to vector<128x1xi32>
    %le3A_141 = arith.cmpi sle, %select_n3A_95, %le3A_140 : vector<128x1xi32>
    %sub3A_142 = arith.constant 27 : i32
    %sub3A_143 = vector.broadcast %sub3A_142 : i32 to vector<128x1xi32>
    %sub3A_144 = arith.subi %select_n3A_95, %sub3A_143 : vector<128x1xi32>
    %jit3A_145 = arith.constant 8 : i32
    %broadcast_in_dim3A_146 = vector.broadcast %jit3A_145 : i32 to vector<128x1xi32>
    %select_n3A_147 = arith.select %le3A_141, %sub3A_144, %broadcast_in_dim3A_146 : vector<128x1xi1>, vector<128x1xi32>
    %jit3A_148 = arith.constant 7 : i32
    %broadcast_in_dim3A_149 = vector.broadcast %jit3A_148 : i32 to vector<128x1xi32>
    %select_n3A_150 = arith.select %le3A_138, %broadcast_in_dim3A_149, %select_n3A_147 : vector<128x1xi1>, vector<128x1xi32>
    %ge3A_151 = arith.constant 37 : i32
    %ge3A_152 = vector.broadcast %ge3A_151 : i32 to vector<128x1xi32>
    %ge3A_153 = arith.cmpi sge, %min3A_24, %ge3A_152 : vector<128x1xi32>
    %jit3A_154 = arith.constant 1 : i32
    %jit3A_155 = arith.constant 0 : i32
    %broadcast_in_dim3A_156 = vector.broadcast %jit3A_154 : i32 to vector<128x1xi32>
    %broadcast_in_dim3A_157 = vector.broadcast %jit3A_155 : i32 to vector<128x1xi32>
    %select_n3A_158 = arith.select %or3A_53, %broadcast_in_dim3A_156, %broadcast_in_dim3A_157 : vector<128x1xi1>, vector<128x1xi32>
    %jit3A_159 = arith.constant 2 : i32
    %broadcast_in_dim3A_160 = vector.broadcast %jit3A_159 : i32 to vector<128x1xi32>
    %select_n3A_161 = arith.select %ge3A_153, %broadcast_in_dim3A_160, %select_n3A_158 : vector<128x1xi1>, vector<128x1xi32>
    %le3A_162 = arith.constant 26 : i32
    %le3A_163 = vector.broadcast %le3A_162 : i32 to vector<128x1xi32>
    %le3A_164 = arith.cmpi sle, %select_n3A_95, %le3A_163 : vector<128x1xi32>
    %eq3A_165 = arith.constant 0 : i32
    %eq3A_166 = vector.broadcast %eq3A_165 : i32 to vector<128x1xi32>
    %eq3A_167 = arith.cmpi eq, %sub3A_123, %eq3A_166 : vector<128x1xi32>
    %eq3A_168 = arith.constant 8 : i32
    %eq3A_169 = vector.broadcast %eq3A_168 : i32 to vector<128x1xi32>
    %eq3A_170 = arith.cmpi eq, %sub3A_123, %eq3A_169 : vector<128x1xi32>
    %or3A_171 = arith.ori %eq3A_167, %eq3A_170 : vector<128x1xi1>
    %jit3A_172 = arith.constant 1 : i32
    %jit3A_173 = arith.constant 0 : i32
    %broadcast_in_dim3A_174 = vector.broadcast %jit3A_172 : i32 to vector<128x1xi32>
    %broadcast_in_dim3A_175 = vector.broadcast %jit3A_173 : i32 to vector<128x1xi32>
    %select_n3A_176 = arith.select %or3A_171, %broadcast_in_dim3A_174, %broadcast_in_dim3A_175 : vector<128x1xi1>, vector<128x1xi32>
    %le3A_177 = arith.constant 30 : i32
    %le3A_178 = vector.broadcast %le3A_177 : i32 to vector<128x1xi32>
    %le3A_179 = arith.cmpi sle, %select_n3A_95, %le3A_178 : vector<128x1xi32>
    %le3A_180 = arith.constant 33 : i32
    %le3A_181 = vector.broadcast %le3A_180 : i32 to vector<128x1xi32>
    %le3A_182 = arith.cmpi sle, %select_n3A_95, %le3A_181 : vector<128x1xi32>
    %jit3A_183 = arith.constant 3 : i32
    %jit3A_184 = arith.constant 4 : i32
    %broadcast_in_dim3A_185 = vector.broadcast %jit3A_183 : i32 to vector<128x1xi32>
    %broadcast_in_dim3A_186 = vector.broadcast %jit3A_184 : i32 to vector<128x1xi32>
    %select_n3A_187 = arith.select %le3A_182, %broadcast_in_dim3A_185, %broadcast_in_dim3A_186 : vector<128x1xi1>, vector<128x1xi32>
    %jit3A_188 = arith.constant 2 : i32
    %broadcast_in_dim3A_189 = vector.broadcast %jit3A_188 : i32 to vector<128x1xi32>
    %select_n3A_190 = arith.select %le3A_179, %broadcast_in_dim3A_189, %select_n3A_187 : vector<128x1xi1>, vector<128x1xi32>
    %select_n3A_191 = arith.select %le3A_164, %select_n3A_176, %select_n3A_190 : vector<128x1xi1>, vector<128x1xi32>
    %iota3A_192 = tpu.iota {dimensions = array<i32: 1>} : vector<128x35xi32>
    %eq3A_193 = vector.broadcast %select_n3A_95 : vector<128x1xi32> to vector<128x35xi32>
    %eq3A_194 = arith.cmpi eq, %iota3A_192, %eq3A_193 : vector<128x35xi32>
    %convert_element_type3A = arith.extui %eq3A_194 : vector<128x35xi1> to vector<128x35xi32>
    %convert_element_type3A_195 = arith.sitofp %convert_element_type3A : vector<128x35xi32> to vector<128x35xf32>
    %get3A = arith.constant 0 : index
    %get3A_196 = arith.constant 0 : index
    %get3A_197 = vector.load %arg1[%get3A, %get3A_196] : memref<35x16xf32, #tpu.memory_space<vmem>>, vector<35x16xf32>
    %dot_general3A = arith.constant dense<0.000000e+00> : vector<128x16xf32>
    %dot_general3A_198 = tpu.matmul %convert_element_type3A_195, %get3A_197, %dot_general3A {dimension_numbers = #tpu.dot_dimension_numbers<[1], [0], [0], [1], [0, 0, 1, 1], [], []>, transpose_lhs_hint = false} : vector<128x35xf32>, vector<35x16xf32>, vector<128x16xf32> -> vector<128x16xf32>
    %iota3A_199 = tpu.iota {dimensions = array<i32: 1>} : vector<128x5xi32>
    %eq3A_200 = vector.broadcast %select_n3A_120 : vector<128x1xi32> to vector<128x5xi32>
    %eq3A_201 = arith.cmpi eq, %iota3A_199, %eq3A_200 : vector<128x5xi32>
    %convert_element_type3A_202 = arith.extui %eq3A_201 : vector<128x5xi1> to vector<128x5xi32>
    %convert_element_type3A_203 = arith.sitofp %convert_element_type3A_202 : vector<128x5xi32> to vector<128x5xf32>
    %get3A_204 = arith.constant 0 : index
    %get3A_205 = arith.constant 0 : index
    %get3A_206 = vector.load %arg2[%get3A_204, %get3A_205] : memref<5x16xf32, #tpu.memory_space<vmem>>, vector<5x16xf32>
    %dot_general3A_207 = arith.constant dense<0.000000e+00> : vector<128x16xf32>
    %dot_general3A_208 = tpu.matmul %convert_element_type3A_203, %get3A_206, %dot_general3A_207 {dimension_numbers = #tpu.dot_dimension_numbers<[1], [0], [0], [1], [0, 0, 1, 1], [], []>, transpose_lhs_hint = false} : vector<128x5xf32>, vector<5x16xf32>, vector<128x16xf32> -> vector<128x16xf32>
    %iota3A_209 = tpu.iota {dimensions = array<i32: 1>} : vector<128x11xi32>
    %eq3A_210 = vector.broadcast %select_n3A_135 : vector<128x1xi32> to vector<128x11xi32>
    %eq3A_211 = arith.cmpi eq, %iota3A_209, %eq3A_210 : vector<128x11xi32>
    %convert_element_type3A_212 = arith.extui %eq3A_211 : vector<128x11xi1> to vector<128x11xi32>
    %convert_element_type3A_213 = arith.sitofp %convert_element_type3A_212 : vector<128x11xi32> to vector<128x11xf32>
    %get3A_214 = arith.constant 0 : index
    %get3A_215 = arith.constant 0 : index
    %get3A_216 = vector.load %arg3[%get3A_214, %get3A_215] : memref<11x16xf32, #tpu.memory_space<vmem>>, vector<11x16xf32>
    %dot_general3A_217 = arith.constant dense<0.000000e+00> : vector<128x16xf32>
    %dot_general3A_218 = tpu.matmul %convert_element_type3A_213, %get3A_216, %dot_general3A_217 {dimension_numbers = #tpu.dot_dimension_numbers<[1], [0], [0], [1], [0, 0, 1, 1], [], []>, transpose_lhs_hint = false} : vector<128x11xf32>, vector<11x16xf32>, vector<128x16xf32> -> vector<128x16xf32>
    %iota3A_219 = tpu.iota {dimensions = array<i32: 1>} : vector<128x9xi32>
    %eq3A_220 = vector.broadcast %select_n3A_150 : vector<128x1xi32> to vector<128x9xi32>
    %eq3A_221 = arith.cmpi eq, %iota3A_219, %eq3A_220 : vector<128x9xi32>
    %convert_element_type3A_222 = arith.extui %eq3A_221 : vector<128x9xi1> to vector<128x9xi32>
    %convert_element_type3A_223 = arith.sitofp %convert_element_type3A_222 : vector<128x9xi32> to vector<128x9xf32>
    %get3A_224 = arith.constant 0 : index
    %get3A_225 = arith.constant 0 : index
    %get3A_226 = vector.load %arg4[%get3A_224, %get3A_225] : memref<9x16xf32, #tpu.memory_space<vmem>>, vector<9x16xf32>
    %dot_general3A_227 = arith.constant dense<0.000000e+00> : vector<128x16xf32>
    %dot_general3A_228 = tpu.matmul %convert_element_type3A_223, %get3A_226, %dot_general3A_227 {dimension_numbers = #tpu.dot_dimension_numbers<[1], [0], [0], [1], [0, 0, 1, 1], [], []>, transpose_lhs_hint = false} : vector<128x9xf32>, vector<9x16xf32>, vector<128x16xf32> -> vector<128x16xf32>
    %iota3A_229 = tpu.iota {dimensions = array<i32: 1>} : vector<128x3xi32>
    %eq3A_230 = vector.broadcast %select_n3A_161 : vector<128x1xi32> to vector<128x3xi32>
    %eq3A_231 = arith.cmpi eq, %iota3A_229, %eq3A_230 : vector<128x3xi32>
    %convert_element_type3A_232 = arith.extui %eq3A_231 : vector<128x3xi1> to vector<128x3xi32>
    %convert_element_type3A_233 = arith.sitofp %convert_element_type3A_232 : vector<128x3xi32> to vector<128x3xf32>
    %get3A_234 = arith.constant 0 : index
    %get3A_235 = arith.constant 0 : index
    %get3A_236 = vector.load %arg5[%get3A_234, %get3A_235] : memref<3x16xf32, #tpu.memory_space<vmem>>, vector<3x16xf32>
    %dot_general3A_237 = arith.constant dense<0.000000e+00> : vector<128x16xf32>
    %dot_general3A_238 = tpu.matmul %convert_element_type3A_233, %get3A_236, %dot_general3A_237 {dimension_numbers = #tpu.dot_dimension_numbers<[1], [0], [0], [1], [0, 0, 1, 1], [], []>, transpose_lhs_hint = false} : vector<128x3xf32>, vector<3x16xf32>, vector<128x16xf32> -> vector<128x16xf32>
    %iota3A_239 = tpu.iota {dimensions = array<i32: 1>} : vector<128x5xi32>
    %eq3A_240 = vector.broadcast %select_n3A_191 : vector<128x1xi32> to vector<128x5xi32>
    %eq3A_241 = arith.cmpi eq, %iota3A_239, %eq3A_240 : vector<128x5xi32>
    %convert_element_type3A_242 = arith.extui %eq3A_241 : vector<128x5xi1> to vector<128x5xi32>
    %convert_element_type3A_243 = arith.sitofp %convert_element_type3A_242 : vector<128x5xi32> to vector<128x5xf32>
    %get3A_244 = arith.constant 0 : index
    %get3A_245 = arith.constant 0 : index
    %get3A_246 = vector.load %arg6[%get3A_244, %get3A_245] : memref<5x16xf32, #tpu.memory_space<vmem>>, vector<5x16xf32>
    %dot_general3A_247 = arith.constant dense<0.000000e+00> : vector<128x16xf32>
    %dot_general3A_248 = tpu.matmul %convert_element_type3A_243, %get3A_246, %dot_general3A_247 {dimension_numbers = #tpu.dot_dimension_numbers<[1], [0], [0], [1], [0, 0, 1, 1], [], []>, transpose_lhs_hint = false} : vector<128x5xf32>, vector<5x16xf32>, vector<128x16xf32> -> vector<128x16xf32>
    %iota3A_249 = tpu.iota {dimensions = array<i32: 1>} : vector<128x3xi32>
    %eq3A_250 = vector.broadcast %select_n3A_43 : vector<128x1xi32> to vector<128x3xi32>
    %eq3A_251 = arith.cmpi eq, %iota3A_249, %eq3A_250 : vector<128x3xi32>
    %convert_element_type3A_252 = arith.extui %eq3A_251 : vector<128x3xi1> to vector<128x3xi32>
    %convert_element_type3A_253 = arith.sitofp %convert_element_type3A_252 : vector<128x3xi32> to vector<128x3xf32>
    %get3A_254 = arith.constant 0 : index
    %get3A_255 = arith.constant 0 : index
    %get3A_256 = vector.load %arg7[%get3A_254, %get3A_255] : memref<3x16xf32, #tpu.memory_space<vmem>>, vector<3x16xf32>
    %dot_general3A_257 = arith.constant dense<0.000000e+00> : vector<128x16xf32>
    %dot_general3A_258 = tpu.matmul %convert_element_type3A_253, %get3A_256, %dot_general3A_257 {dimension_numbers = #tpu.dot_dimension_numbers<[1], [0], [0], [1], [0, 0, 1, 1], [], []>, transpose_lhs_hint = false} : vector<128x3xf32>, vector<3x16xf32>, vector<128x16xf32> -> vector<128x16xf32>
    %concatenate3A = tpu.concatenate %dot_general3A_198, %dot_general3A_208, %dot_general3A_218, %dot_general3A_228, %dot_general3A_238, %dot_general3A_248, %dot_general3A_258 in 1 : vector<128x16xf32>, vector<128x16xf32>, vector<128x16xf32>, vector<128x16xf32>, vector<128x16xf32>, vector<128x16xf32>, vector<128x16xf32> -> vector<128x112xf32>
    %get3A_259 = arith.constant 0 : index
    %get3A_260 = arith.constant 0 : index
    %get3A_261 = vector.load %arg8[%get3A_259, %get3A_260] : memref<112x64xf32, #tpu.memory_space<vmem>>, vector<112x64xf32>
    %dot_general3A_262 = arith.constant dense<0.000000e+00> : vector<128x64xf32>
    %dot_general3A_263 = tpu.matmul %concatenate3A, %get3A_261, %dot_general3A_262 {dimension_numbers = #tpu.dot_dimension_numbers<[1], [0], [0], [1], [0, 0, 1, 1], [], []>, transpose_lhs_hint = false} : vector<128x112xf32>, vector<112x64xf32>, vector<128x64xf32> -> vector<128x64xf32>
    %get3A_264 = arith.constant 0 : index
    %get3A_265 = arith.constant 0 : index
    %get3A_266 = vector.load %arg9[%get3A_264, %get3A_265] : memref<1x64xf32, #tpu.memory_space<vmem>>, vector<1x64xf32>
    %add3A_267 = vector.broadcast %get3A_266 : vector<1x64xf32> to vector<128x64xf32>
    %add3A_268 = arith.addf %dot_general3A_263, %add3A_267 : vector<128x64xf32>
    %reduce_sum3A = arith.constant dense<0.000000e+00> : vector<128xf32>
    %reduce_sum3A_269 = vector.multi_reduction <add>, %add3A_268, %reduce_sum3A [1] : vector<128x64xf32> to vector<128xf32>
    %broadcast_in_dim3A_270 = vector.shape_cast %reduce_sum3A_269 : vector<128xf32> to vector<128x1xf32>
    %div3A_271 = arith.constant 6.400000e+01 : f32
    %div3A_272 = vector.broadcast %div3A_271 : f32 to vector<128x1xf32>
    %div3A_273 = arith.divf %broadcast_in_dim3A_270, %div3A_272 : vector<128x1xf32>
    %sub3A_274 = vector.broadcast %div3A_273 : vector<128x1xf32> to vector<128x64xf32>
    %sub3A_275 = arith.subf %add3A_268, %sub3A_274 : vector<128x64xf32>
    %mul3A_276 = arith.mulf %sub3A_275, %sub3A_275 : vector<128x64xf32>
    %reduce_sum3A_277 = arith.constant dense<0.000000e+00> : vector<128xf32>
    %reduce_sum3A_278 = vector.multi_reduction <add>, %mul3A_276, %reduce_sum3A_277 [1] : vector<128x64xf32> to vector<128xf32>
    %broadcast_in_dim3A_279 = vector.shape_cast %reduce_sum3A_278 : vector<128xf32> to vector<128x1xf32>
    %div3A_280 = arith.constant 6.400000e+01 : f32
    %div3A_281 = vector.broadcast %div3A_280 : f32 to vector<128x1xf32>
    %div3A_282 = arith.divf %broadcast_in_dim3A_279, %div3A_281 : vector<128x1xf32>
    %add3A_283 = arith.constant 9.99999974E-6 : f32
    %add3A_284 = vector.broadcast %add3A_283 : f32 to vector<128x1xf32>
    %add3A_285 = arith.addf %div3A_282, %add3A_284 : vector<128x1xf32>
    %rsqrt3A = math.rsqrt %add3A_285 : vector<128x1xf32>
    %mul3A_286 = vector.broadcast %rsqrt3A : vector<128x1xf32> to vector<128x64xf32>
    %mul3A_287 = arith.mulf %sub3A_275, %mul3A_286 : vector<128x64xf32>
    %get3A_288 = arith.constant 0 : index
    %get3A_289 = arith.constant 0 : index
    %get3A_290 = vector.load %arg10[%get3A_288, %get3A_289] : memref<1x64xf32, #tpu.memory_space<vmem>>, vector<1x64xf32>
    %mul3A_291 = vector.broadcast %get3A_290 : vector<1x64xf32> to vector<128x64xf32>
    %mul3A_292 = arith.mulf %mul3A_287, %mul3A_291 : vector<128x64xf32>
    %get3A_293 = arith.constant 0 : index
    %get3A_294 = arith.constant 0 : index
    %get3A_295 = vector.load %arg11[%get3A_293, %get3A_294] : memref<1x64xf32, #tpu.memory_space<vmem>>, vector<1x64xf32>
    %add3A_296 = vector.broadcast %get3A_295 : vector<1x64xf32> to vector<128x64xf32>
    %add3A_297 = arith.addf %mul3A_292, %add3A_296 : vector<128x64xf32>
    %mul3A_298 = arith.constant 1824 : i32
    %mul3A_299 = arith.muli %arg0, %mul3A_298 : i32
    %iota3A_300 = tpu.iota {dimensions = array<i32: 0>} : vector<1824x1xi32>
    %add3A_301 = vector.broadcast %mul3A_299 : i32 to vector<1824x1xi32>
    %add3A_302 = arith.addi %add3A_301, %iota3A_300 : vector<1824x1xi32>
    %shift_right_logical3A = arith.constant 7 : i32
    %shift_right_logical3A_303 = vector.broadcast %shift_right_logical3A : i32 to vector<1824x1xi32>
    %shift_right_logical3A_304 = arith.shrui %add3A_302, %shift_right_logical3A_303 : vector<1824x1xi32>
    %and3A_305 = arith.constant 127 : i32
    %and3A_306 = vector.broadcast %and3A_305 : i32 to vector<1824x1xi32>
    %and3A_307 = arith.andi %add3A_302, %and3A_306 : vector<1824x1xi32>
    %iota3A_308 = tpu.iota {dimensions = array<i32: 1>} : vector<1824x128xi32>
    %eq3A_309 = vector.broadcast %shift_right_logical3A_304 : vector<1824x1xi32> to vector<1824x128xi32>
    %eq3A_310 = arith.cmpi eq, %iota3A_308, %eq3A_309 : vector<1824x128xi32>
    %convert_element_type3A_311 = arith.extui %eq3A_310 : vector<1824x128xi1> to vector<1824x128xi32>
    %convert_element_type3A_312 = arith.sitofp %convert_element_type3A_311 : vector<1824x128xi32> to vector<1824x128xf32>
    %dot_general3A_313 = arith.constant dense<0.000000e+00> : vector<1824x64xf32>
    %dot_general3A_314 = tpu.matmul %convert_element_type3A_312, %add3A_297, %dot_general3A_313 {dimension_numbers = #tpu.dot_dimension_numbers<[1], [0], [0], [1], [0, 0, 1, 1], [], []>, transpose_lhs_hint = false} : vector<1824x128xf32>, vector<128x64xf32>, vector<1824x64xf32> -> vector<1824x64xf32>
    %eq3A_315 = vector.broadcast %and3A_307 : vector<1824x1xi32> to vector<1824x128xi32>
    %eq3A_316 = arith.cmpi eq, %iota3A_308, %eq3A_315 : vector<1824x128xi32>
    %convert_element_type3A_317 = arith.extui %eq3A_316 : vector<1824x128xi1> to vector<1824x128xi32>
    %convert_element_type3A_318 = arith.sitofp %convert_element_type3A_317 : vector<1824x128xi32> to vector<1824x128xf32>
    %dot_general3A_319 = arith.constant dense<0.000000e+00> : vector<1824x64xf32>
    %dot_general3A_320 = tpu.matmul %convert_element_type3A_318, %add3A_297, %dot_general3A_319 {dimension_numbers = #tpu.dot_dimension_numbers<[1], [0], [0], [1], [0, 0, 1, 1], [], []>, transpose_lhs_hint = false} : vector<1824x128xf32>, vector<128x64xf32>, vector<1824x64xf32> -> vector<1824x64xf32>
    %concatenate3A_321 = tpu.concatenate %dot_general3A_314, %dot_general3A_320 in 1 : vector<1824x64xf32>, vector<1824x64xf32> -> vector<1824x128xf32>
    %swap3A = arith.constant 0 : index
    %swap3A_322 = arith.constant 0 : index
    %swap3A_323 = vector.load %arg12[%swap3A, %swap3A_322] : memref<1824x128xf32, #tpu.memory_space<vmem>>, vector<1824x128xf32>
    tpu.vector_store %arg12[%swap3A, %swap3A_322], %concatenate3A_321 {strides = array<i32>} : memref<1824x128xf32, #tpu.memory_space<vmem>>, vector<1824x128xf32>,
    return
  }
  func.func @transform_0(%arg0: i32) -> (i32, i32) {
    %c0_i32 = arith.constant 0 : i32
    %c0_i32_0 = arith.constant 0 : i32
    %c0_i32_1 = arith.constant 0 : i32
    return %c0_i32, %c0_i32_0 : i32, i32
  }
  func.func @transform_1(%arg0: i32) -> (i32, i32) {
    %c0_i32 = arith.constant 0 : i32
    %c0_i32_0 = arith.constant 0 : i32
    %c0_i32_1 = arith.constant 0 : i32
    return %c0_i32, %c0_i32_0 : i32, i32
  }
  func.func @transform_2(%arg0: i32) -> (i32, i32) {
    %c0_i32 = arith.constant 0 : i32
    %c0_i32_0 = arith.constant 0 : i32
    %c0_i32_1 = arith.constant 0 : i32
    return %c0_i32, %c0_i32_0 : i32, i32
  }
  func.func @transform_3(%arg0: i32) -> (i32, i32) {
    %c0_i32 = arith.constant 0 : i32
    %c0_i32_0 = arith.constant 0 : i32
    %c0_i32_1 = arith.constant 0 : i32
    return %c0_i32, %c0_i32_0 : i32, i32
  }
  func.func @transform_4(%arg0: i32) -> (i32, i32) {
    %c0_i32 = arith.constant 0 : i32
    %c0_i32_0 = arith.constant 0 : i32
    %c0_i32_1 = arith.constant 0 : i32
    return %c0_i32, %c0_i32_0 : i32, i32
  }
  func.func @transform_5(%arg0: i32) -> (i32, i32) {
    %c0_i32 = arith.constant 0 : i32
    %c0_i32_0 = arith.constant 0 : i32
    %c0_i32_1 = arith.constant 0 : i32
    return %c0_i32, %c0_i32_0 : i32, i32
  }
  func.func @transform_6(%arg0: i32) -> (i32, i32) {
    %c0_i32 = arith.constant 0 : i32
    %c0_i32_0 = arith.constant 0 : i32
    %c0_i32_1 = arith.constant 0 : i32
    return %c0_i32, %c0_i32_0 : i32, i32
  }
  func.func @transform_7(%arg0: i32) -> (i32, i32) {
    %c0_i32 = arith.constant 0 : i32
    %c0_i32_0 = arith.constant 0 : i32
    %c0_i32_1 = arith.constant 0 : i32
    return %c0_i32, %c0_i32_0 : i32, i32
  }
  func.func @transform_8(%arg0: i32) -> (i32, i32) {
    %c0_i32 = arith.constant 0 : i32
    %c0_i32_0 = arith.constant 0 : i32
    %c0_i32_1 = arith.constant 0 : i32
    return %c0_i32, %c0_i32_0 : i32, i32
  }
  func.func @transform_9(%arg0: i32) -> (i32, i32) {
    %c0_i32 = arith.constant 0 : i32
    %c0_i32_0 = arith.constant 0 : i32
    %c0_i32_1 = arith.constant 0 : i32
    return %c0_i32, %c0_i32_0 : i32, i32
  }
  func.func @transform_10(%arg0: i32) -> (i32, i32) {
    %c0_i32 = arith.constant 0 : i32
    %c0_i32_0 = arith.constant 0 : i32
    %c0_i32_1 = arith.constant 0 : i32
    return %c0_i32, %c0_i32_0 : i32, i32
  }
  func.func @transform_11(%arg0: i32) -> (i32, i32) {
    %c0_i32 = arith.constant 0 : i32
    %c0_i32_0 = arith.constant 0 : i32
    return %arg0, %c0_i32 : i32, i32
  }
}

</mosaic_0001>

<sc_bundles>
// kernel: kernel.5.cloned.1.call-start
scs
__scs_entry_jumppad:
0x0: {  	(pc) =	sbr.rel $0x88, $3  }
0x1: {  	(tag) =	ssettag $0x0;
	lr =	simm.s32 $0x1  }
0x2: {  	[smem:$0x3F94] =	sst lr;
	_ =	strace $0xD0000000  }
0x3: {  	_ = 	snop  }
0x4: {  	_ = 	snop  }
0x5: {  	_ = 	snop  }
0x6: {  	_ = 	snop  }
0x7: {  	_ = 	snop  }
__scs_overlays_trampoline_lowered:
0x8: {  	[smem:$0x3FA3] =	sst s0  }
0x9: {  	[smem:$0x3FA4] =	sst s1  }
0xa: {  	[smem:$0x3FA5] =	sst s2  }
0xb: {  	[smem:$0x3FA6] =	sst s3  }
0xc: {  	[smem:$0x3FA7] =	sst s4  }
0xd: {  	[smem:$0x3FA8] =	sst s5  }
0xe: {  	[smem:$0x3FA9] =	sst s6  }
0xf: {  	[smem:$0x3FAA] =	sst s7  }
0x10: {  	[smem:$0x3FAB] =	sst s8  }
0x11: {  	[smem:$0x3FAC] =	sst s9;
	s0 =	simm.s32 @!p0 $0x0  }
0x12: {  	s1 =	sld [smem:$0x3F92];
	s0 =	simm.s32 @p0 $0x1  }
0x13: {  	[smem:$0x3FAD] =	sst s0;
	s0 =	simm.s32 @!p1 $0x0  }
0x14: {  	s2 =	sld [smem:$0x3F91];
	s0 =	simm.s32 @p1 $0x1  }
0x15: {  	[smem:$0x3FAE] =	sst s0;
	s0 =	simm.s32 @!p2 $0x0  }
0x16: {  	s3 =	sld [smem:$0x3FDB];
	s0 =	simm.s32 @p2 $0x1  }
0x17: {  	s4 =	simm.s32 $0x1BF5;
	[smem:$0x3FB0] =	sst s0  }
0x18: {  	s0 =	sld [smem:$0x3F93];
	_ =	swait.ge [sflag:s4], $0x0  }
0x19: {  	s7 =	sld [smem:$0x3F94]  }
0x1a: {  	s8 =	sadd.s32 $0xFFFFE003, lr  }
0x1b: {  	s9 =	sadd.s32 $0xFFFFFEF7, lr;
	s5 =	simm.s32 $0xFFFFFFFF;
	p2 =	slt.u32 s8, $0xFFFFF086  }
0x1c: {  	p1 =	slt.u32 s9, $0xF7A;
	s5 =	simm.s32 @!p2 $0x0  }
0x1d: {  	s5 =	simm.s32 @p1 $0x1;
	p0 =	seq.s32 s7, s2  }
0x1e: {  	s7 =	smul.u32 @!p0 $0xF7A, s2;
	p2 =	seq.s32 @!p0 s5, $0x0  }
0x1f: {  	s9 =	smul.u32 $0xF7A, s1;
	s8 =	simm.s32 @!p0 $0x1BF5;
	p2 =	por !p2, p0  }
0x20: {  	[sflag:s8] =	ssyncset.s32 @!p0 $0xFFFFF086;
	s6 =	sadd.s32 @!p0 s3, s7;
	s7 =	simm.s32 @!p0 $0x108  }
0x21: {  	s3 =	sadd.s32 s3, s9;
	s6 =	sadd.s32 @!p0 $0x88, s6;
	s7 =	simm.s32 @p2 $0x1082  }
0x22: {  	[simem:s7], [sflag:s8] =	dma.local @!p0 [hbm:s6], $0xF7A  }
0x23: {  	s9 =	sor.u32 $0xD0000000, s2;
	s6 =	simm.s32 $0x108;
	_ =	swait.ge @!p0 [sflag:s8], $0x0  }
0x24: {  	s3 =	sadd.s32 $0x88, s3;
	s6 =	simm.s32 @!p1 $0x1082;
	[sflag:s4] =	ssyncset.s32 $0xFFFFF086  }
0x25: {  	[simem:s6], [sflag:s4] =	dma.local [hbm:s3], $0xF7A  }
0x26: {  	[smem:$0x3F94] =	sst s1;
	(tag) =	ssettag s2;
	_ =	strace s9  }
0x27: {  	s1 =	sld [smem:$0x3FA4]  }
0x28: {  	s2 =	sld [smem:$0x3FA5]  }
0x29: {  	s4 =	sld [smem:$0x3FA7]  }
0x2a: {  	p0 =	seq.s32 s5, $0x0;
	s5 =	sld [smem:$0x3FA8]  }
0x2b: {  	s6 =	sld [smem:$0x3FA9]  }
0x2c: {  	s7 =	sld [smem:$0x3FAA]  }
0x2d: {  	s3 =	simm.s32 $0x108;
	s8 =	sld [smem:$0x3FAB]  }
0x2e: {  	s3 =	simm.s32 @!p0 $0x1082;
	s9 =	sld [smem:$0x3FAC]  }
0x2f: {  	lr =	sadd.s32 s0, s3;
	s0 =	sld [smem:$0x3FA3]  }
0x30: {  	s3 =	sld [smem:$0x3FA6]  }
0x31: {  	[smem:$0x3FAF] =	sst s10  }
0x32: {  	s10 =	sld [smem:$0x3FAD];
	_ =	sdelay $0x3  }
0x33: {  	p0 =	seq.s32 s10, $0x1;
	s10 =	sld [smem:$0x3FAF];
	_ =	sdelay $0x3  }
0x34: {  	[smem:$0x3FAF] =	sst s10  }
0x35: {  	s10 =	sld [smem:$0x3FAE];
	_ =	sdelay $0x3  }
0x36: {  	p1 =	seq.s32 s10, $0x1;
	s10 =	sld [smem:$0x3FAF];
	_ =	sdelay $0x3  }
0x37: {  	[smem:$0x3FAF] =	sst s10  }
0x38: {  	s10 =	sld [smem:$0x3FB0]  }
0x39: {  	_ = 	snop;
	(pc) =	sbr.ind lr, $3  }
0x3a: {  	_ = 	snop  }
0x3b: {  	_ = 	snop  }
0x3c: {  	p2 =	seq.s32 s10, $0x1;
	s10 =	sld [smem:$0x3FAF]  }
0x3d: {  	_ =	shalt  }
0x3e: {  	_ =	shalt  }
0x3f: {  	_ =	shalt  }
0x40: {  	_ =	shalt  }
0x41: {  	_ =	shalt  }
0x42: {  	_ =	shalt  }
0x43: {  	_ =	shalt  }
0x44: {  	_ =	shalt  }
0x45: {  	_ =	shalt  }
0x46: {  	_ =	shalt  }
0x47: {  	_ =	shalt  }
0x48: {  	_ =	shalt  }
0x49: {  	_ =	shalt  }
0x4a: {  	_ =	shalt  }
0x4b: {  	_ =	shalt  }
0x4c: {  	_ =	shalt  }
0x4d: {  	_ =	shalt  }
0x4e: {  	_ =	shalt  }
0x4f: {  	_ =	shalt  }
0x50: {  	_ =	shalt  }
0x51: {  	_ =	shalt  }
0x52: {  	_ =	shalt  }
0x53: {  	_ =	shalt  }
0x54: {  	_ =	shalt  }
0x55: {  	_ =	shalt  }
0x56: {  	_ =	shalt  }
0x57: {  	_ =	shalt  }
0x58: {  	_ =	shalt  }
0x59: {  	_ =	shalt  }
0x5a: {  	_ =	shalt  }
0x5b: {  	_ =	shalt  }
0x5c: {  	_ =	shalt  }
0x5d: {  	_ =	shalt  }
0x5e: {  	_ =	shalt  }
0x5f: {  	_ =	shalt  }
0x60: {  	_ =	shalt  }
0x61: {  	_ =	shalt  }
0x62: {  	_ =	shalt  }
0x63: {  	_ =	shalt  }
0x64: {  	_ =	shalt  }
0x65: {  	_ =	shalt  }
0x66: {  	_ =	shalt  }
0x67: {  	_ =	shalt  }
0x68: {  	_ =	shalt  }
0x69: {  	_ =	shalt  }
0x6a: {  	_ =	shalt  }
0x6b: {  	_ =	shalt  }
0x6c: {  	_ =	shalt  }
0x6d: {  	_ =	shalt  }
0x6e: {  	_ =	shalt  }
0x6f: {  	_ =	shalt  }
0x70: {  	_ =	shalt  }
0x71: {  	_ =	shalt  }
0x72: {  	_ =	shalt  }
0x73: {  	_ =	shalt  }
0x74: {  	_ =	shalt  }
0x75: {  	_ =	shalt  }
0x76: {  	_ =	shalt  }
0x77: {  	_ =	shalt  }
0x78: {  	_ =	shalt  }
0x79: {  	_ =	shalt  }
0x7a: {  	_ =	shalt  }
0x7b: {  	_ =	shalt  }
0x7c: {  	_ =	shalt  }
0x7d: {  	_ =	shalt  }
0x7e: {  	_ =	shalt  }
0x7f: {  	_ =	shalt  }
0x80: {  	_ =	shalt  }
0x81: {  	_ =	shalt  }
0x82: {  	_ =	shalt  }
0x83: {  	_ =	shalt  }
0x84: {  	_ =	shalt  }
0x85: {  	_ =	shalt  }
0x86: {  	_ =	shalt  }
0x87: {  	_ =	shalt  }
.Lfunc_end0:
.L_simem_size_0:
called_computation.1_lowered:
.L_overlay_start_0:
0x88: {  	s2 =	sld [smem:$0x3FD9]  }
0x89: {  	s3 =	sld [smem:$0x3FFE];
	_ =	sdelay $0x1  }
0x8a: {  	s1 =	srdreg.scid  }
0x8b: {  	s0 =	sand.u32 $0x1, s1  }
0x8c: {  	s17 =	sshll.u32 s0, $0xA;
	s2 =	sadd.s32 s3, s2  }
0x8d: {  	s2 =	sadd.s32 s2, s17  }
0x8e: {  	[smem:$0x3FBB] =	sst s2  }
0x8f: {  	_ = 	snop  }
0x90: {  	s2 =	sld [smem:$0x3FD0];
	(tm) =	ssettm $0x1  }
0x91: {  	s18 =	sld [smem:$0x3FFB];
	_ =	sdelay $0x3  }
0x92: {  	_ =	strace s18  }
0x93: {  	s3 =	sld [smem:$0x3FFC];
	_ =	sdelay $0x3  }
0x94: {  	_ =	strace s3  }
0x95: {  	s3 =	sld [smem:$0x3FFD];
	_ =	sdelay $0x3  }
0x96: {  	_ =	strace s3  }
0x97: {  	_ =	strace $0x8FFFFFFF  }
0x98: {  	s19 =	sld [smem:$0x3FDB];
	_ =	sdelay $0x1  }
0x99: {  	s4 =	simm.s32 $_scs_section_size  }
0x9a: {  	s5 =	simm.s32 $_size__tile_overlayer_lowered;
	s6 =	simm.s32 $_tile_overlayer_lowered  }
0x9b: {  	s22 =	simm.s32 $0x1BFF;
	s21 =	sshll.u32 s6, $0x1;
	s3 =	sadd.s32 s4, s19  }
0x9c: {  	s7 =	simm.s32 $0x0;
	s20 =	sshll.u32 s5, $0x1;
	s5 =	sadd.s32 s21, s3  }
0x9d: {  	[timem:s7], [sflag:s22] =	dma.local [hbm:s5], s20  }
0x9e: {  	_ =	swait.ge [sflag:s22], s20  }
0x9f: {  	s4 =	ssub.s32 $0x0, s20;
	[sflag:s22] =	ssyncset.done $0x0  }
0xa0: {  	[sflag:s22] =	ssyncadd.s32 s4;
	_ =	sdelay $0x1  }
0xa1: {  	s23 =	simm.s32 $0x1B8B  }
0xa2: {  	_ =	swait.ge [sflag:s23], $0x1  }
0xa3: {  	[sflag:s23] =	ssyncset.done $0x0  }
0xa4: {  	s25 =	simm.s32 $0x1B8E;
	s24 =	sld [smem:$0x3FFE];
	[sflag:s23] =	ssyncadd.s32 $0xFFFFFFFF  }
0xa5: {  	s26 =	simm.s32 $execute0_lowered;
	[smem:$0x3FD2] =	sst s25  }
0xa6: {  	s5 =	sshll.u32 s26, $0x1;
	_ =	strace $0x80000046;
	[dreg:$0x1] =	wrdreg $0xFFFFFFFF  }
0xa7: {  	s28 =	simm.s32 $_size_execute0_lowered;
	s3 =	sadd.s32 s3, s5;
	[dreg:$0x0] =	wrdreg $0x0  }
0xa8: {  	s5 =	sshll.u32 s28, $0x1;
	[dreg:$0x2] =	wrdreg s3  }
0xa9: {  	[dreg:$0x3] =	wrdreg s5  }
0xaa: {  	[dreg:$0x4] =	wrdreg $0xC0  }
0xab: {  	_ =	task [dreg:s7], $0x5FFFF  }
0xac: {  	[dreg:$0x1] =	wrdreg $0xFFFFFFFF  }
0xad: {  	[dreg:$0x0] =	wrdreg $0x60  }
0xae: {  	[dreg:$0x2] =	wrdreg s24  }
0xaf: {  	[dreg:$0x3] =	wrdreg s2  }
0xb0: {  	[dreg:$0x4] =	wrdreg $0x9  }
0xb1: {  	_ =	task.clear_ibuf [dreg:s7], $0x5FFFF;
	_ =	strace $0x90000046  }
0xb2: {  	s29 =	simm.s32 $0x9;
	_ =	strace $0x80000048  }
0xb3: {  	_ =	swait.ge [sflag:s29], $0x1  }
0xb4: {  	[sflag:s29] =	ssyncadd.s32 $0xFFFFFFFF  }
0xb5: {  	_ =	strace $0x90000048  }
0xb6: {  	_ =	sfence  }
0xb7: {  	s30 =	sld [smem:$0x0];
	_ =	sdelay $0x2  }
0xb8: {  	s31 =	sshll.u32 s1, $0xD;
	s1 =	sshrl.u32 s1, $0x2  }
0xb9: {  	s3 =	sand.u32 $0x4000, s31;
	s1 =	sadd.s32 s1, s30  }
0xba: {  	s0 =	sor.u32 s3, s0;
	s1 =	sshll.u32 s1, $0x11  }
0xbb: {  	s0 =	sor.u32 s1, s0  }
0xbc: {  	s0 =	sadd.s32 $0x8F2B, s0  }
0xbd: {  	[sflag:s0] =	ssyncadd.remote.s32 $0x1  }
0xbe: {  	_ =	sfence.sel $0xFFFF  }
0xbf: {  	[dreg:$0x0] =	wrdreg $0xFFFFFFFF;
	(pc) =	sbr.abs _section_cstart, $3  }
0xc0: {  	[dreg:$0x1] =	wrdreg $0xFFFFFFFF  }
0xc1: {  	_ =	task.clear_ibuf [dreg:s7], $0x2FFFF;
	_ =	strace $0x9FFFFFFF  }
0xc2: {  	(tm) =	ssettm $0x7FFFFFFF  }
0xc3: {  	_ =	shalt  }
tec
execute0_lowered:
.L_overlay_start_1:
0x0: {  	(tag) =	ssettag $0x1  }
0x1: {  	s0 =	rddreg [dreg:$0x0];
	s1 =	srdreg.scid  }
0x2: {  	s5 =	stileid.u32;
	s3 =	rddreg [dreg:$0x1]  }
0x3: {  	s2 =	simm.s32 $0x0;
	s8 =	simm.s32 $0x80;
	s9 =	simm.s32 $0x3200  }
0x4: {  	s10 =	simm.s32 $0x48;
	s13 =	simm.s32 $0x9600;
	s17 =	simm.s32 $0xFA00  }
0x5: {  	s21 =	simm.s32 $0x15E00;
	s24 =	simm.s32 $0x1;
	s25 =	simm.s32 $0x2  }
0x6: {  	s28 =	simm.s32 $0x5;
	s29 =	simm.s32 $0x7;
	s30 =	simm.s32 $0x8  }
0x7: {  	s31 =	simm.s32 $0xA;
	s12 =	simm.s32 $0x9;
	s14 =	simm.s32 $0xC  }
0x8: {  	s15 =	simm.s32 $0x0;
	s1 =	sand.u32 $0x1, s1;
	s4 =	sshll.u32 s5, $0x1  }
0x9: {  	[smem:$0x7FF] =	sst s2;
	s5 =	smul.u32 $0x64000, s5;
	s4 =	sor.u32 s1, s4  }
0xa: {  	_ =	strace $0x80000047;
	s6 =	ssub.s32 $0x2, s1;
	s4 =	smul.u32 $0x3200, s4  }
0xb: {  	s1 =	smul.u32 $0x32000, s1;
	s7 =	sshrl.u32 s6, $0x1;
	s5 =	sadd.s32 s5, s3  }
0xc: {  	s3 =	sadd.s32 $0xE400, s0;
	s26 =	ssub.s32 s6, s7;
	s4 =	sshrl.u32 s4, $0x3  }
0xd: {  	s1 =	sadd.s32 s1, s5;
	s4 =	sadd.s32 s4, s0;
	s0 =	smax.u32 s26, $0x1  }
0xe: {  	s18 =	sadd.s32 $0x1900, s1;
	s4 =	sadd.s32 $0x1C00, s4;
	[dreg:$0x4] =	wrdreg s0  }
0xf: {  	s1 =	simm.s32 $0xB;
	s26 =	simm.s32 $0x4;
	[dreg:$0x3] =	wrdreg s4  }
.LBB2_1:
0x10: {  	s0 =	rddreg [dreg:$0x3];
	s19 =	simm.s32 $0xD  }
0x11: {  	[tilespmem:s2], [sflag:$0xD] =	stream.linear.gather [hbm4b:s0+s2], $0x3200, $0x38;
	[tilespmem:$0x1C200] =	vst v63  }
0x12: {  	_ =	swait.ge [sflag:s19], $0x3200  }
0x13: {  	[sflag:s19] =	ssyncset.done $0x0  }
0x14: {  	[sflag:s19] =	ssyncadd.s32 $0xFFFFCE00  }
0x15: {  	[tilespmem:s9], [sflag:$0x1] =	stream.indirect.gather [hbm4b:s3+s8], $0x80, s2, s8, $0xb8;
	[tilespmem:$0x1C200] =	vst v63  }
0x16: {  	s20 =	simm.s32 $0x7200  }
0x17: {  	[tilespmem:s20], [sflag:$0x2] =	stream.indirect.gather [hbm4b:s3+s10], $0x80, s8, s10, $0xb8;
	[tilespmem:$0x1C200] =	vst v63  }
0x18: {  	s22 =	simm.s32 $0xC8  }
0x19: {  	[tilespmem:s13], [sflag:$0x4] =	stream.indirect.gather [hbm4b:s3+s8], $0x80, s22, s8, $0xb8;
	[tilespmem:$0x1C200] =	vst v63  }
0x1a: {  	s23 =	simm.s32 $0x148;
	s4 =	simm.s32 $0xD600  }
0x1b: {  	[tilespmem:s4], [sflag:$0x5] =	stream.indirect.gather [hbm4b:s3+s10], $0x80, s23, s10, $0xb8;
	[tilespmem:$0x1C200] =	vst v63  }
0x1c: {  	s5 =	simm.s32 $0x190  }
0x1d: {  	[tilespmem:s17], [sflag:$0x7] =	stream.indirect.gather [hbm4b:s3+s8], $0x80, s5, s8, $0xb8;
	[tilespmem:$0x1C200] =	vst v63  }
0x1e: {  	s6 =	simm.s32 $0x210;
	s7 =	simm.s32 $0x13A00  }
0x1f: {  	[tilespmem:s7], [sflag:$0x8] =	stream.indirect.gather [hbm4b:s3+s10], $0x80, s6, s10, $0xb8;
	[tilespmem:$0x1C200] =	vst v63  }
0x20: {  	s11 =	simm.s32 $0x258  }
0x21: {  	[tilespmem:s21], [sflag:$0xA] =	stream.indirect.gather [hbm4b:s3+s8], $0x80, s11, s8, $0xb8;
	[tilespmem:$0x1C200] =	vst v63  }
0x22: {  	s16 =	simm.s32 $0x2D8;
	s19 =	simm.s32 $0x19E00  }
0x23: {  	[tilespmem:s19], [sflag:$0xB] =	stream.indirect.gather [hbm4b:s3+s10], $0x80, s16, s10, $0xb8;
	[tilespmem:$0x1C200] =	vst v63  }
0x24: {  	_ =	swait.ge [sflag:s24], $0x4000  }
0x25: {  	[sflag:s24] =	ssyncset.done $0x0  }
0x26: {  	[sflag:s24] =	ssyncadd.s32 $0xFFFFC000  }
0x27: {  	_ =	swait.ge [sflag:s25], $0x2400  }
0x28: {  	p0 =	por $0x1, $0x1;
	[sflag:s25] =	ssyncset.done $0x0  }
0x29: {  	s20 =	sadd.s32 $0xFFFFE700, s18;
	s4 =	simm.s32 @!p0 $0x6;
	[sflag:s25] =	ssyncadd.s32 $0xFFFFDC00  }
0x2a: {  	[hbm4b:s20+s2] =	stream.linear.scatter [tilespmem:s9], [sflag:$0x3], $0x6400, $0x38;
	[tilespmem:$0x1C200] =	vst v63  }
0x2b: {  	_ =	swait.ge @!p0 [sflag:s4], $0x6400  }
0x2c: {  	s6 =	simm.s32 @!p0 $0xC8;
	[sflag:s4] =	ssyncset.done @!p0 $0x0  }
0x2d: {  	s16 =	simm.s32 @!p0 $0x80;
	s19 =	simm.s32 @!p0 $0x9600;
	[sflag:s4] =	ssyncadd.s32 @!p0 $0xFFFF9C00  }
0x2e: {  	[tilespmem:s19], [sflag:$0x4] =	stream.indirect.gather @!p0 [hbm4b:s3+s16], $0x80, s6, s16, $0xb8;
	[tilespmem:$0x1C200] =	vst v63  }
0x2f: {  	s4 =	simm.s32 @!p0 $0x148;
	s6 =	simm.s32 @!p0 $0x48;
	s16 =	simm.s32 @!p0 $0xD600  }
0x30: {  	[tilespmem:s16], [sflag:$0x5] =	stream.indirect.gather @!p0 [hbm4b:s3+s6], $0x80, s4, s6, $0xb8;
	[tilespmem:$0x1C200] =	vst v63  }
0x31: {  	_ =	swait.ge [sflag:s26], $0x4000  }
0x32: {  	[sflag:s26] =	ssyncset.done $0x0  }
0x33: {  	[sflag:s26] =	ssyncadd.s32 $0xFFFFC000  }
0x34: {  	_ =	swait.ge [sflag:s28], $0x2400  }
0x35: {  	p0 =	por $0x1, $0x1;
	[sflag:s28] =	ssyncset.done $0x0  }
0x36: {  	s22 =	sadd.s32 $0xFFFFF380, s18;
	s6 =	simm.s32 @!p0 $0x9;
	[sflag:s28] =	ssyncadd.s32 $0xFFFFDC00  }
0x37: {  	[hbm4b:s22+s2] =	stream.linear.scatter [tilespmem:s13], [sflag:$0x6], $0x6400, $0x38;
	[tilespmem:$0x1C200] =	vst v63  }
0x38: {  	_ =	swait.ge @!p0 [sflag:s6], $0x6400  }
0x39: {  	s4 =	simm.s32 @!p0 $0x190;
	[sflag:s6] =	ssyncset.done @!p0 $0x0  }
0x3a: {  	s16 =	simm.s32 @!p0 $0x80;
	s19 =	simm.s32 @!p0 $0xFA00;
	[sflag:s6] =	ssyncadd.s32 @!p0 $0xFFFF9C00  }
0x3b: {  	[tilespmem:s19], [sflag:$0x7] =	stream.indirect.gather @!p0 [hbm4b:s3+s16], $0x80, s4, s16, $0xb8;
	[tilespmem:$0x1C200] =	vst v63  }
0x3c: {  	s6 =	simm.s32 @!p0 $0x48;
	s4 =	simm.s32 @!p0 $0x210;
	s19 =	simm.s32 @!p0 $0x13A00  }
0x3d: {  	[tilespmem:s19], [sflag:$0x8] =	stream.indirect.gather @!p0 [hbm4b:s3+s6], $0x80, s4, s6, $0xb8;
	[tilespmem:$0x1C200] =	vst v63  }
0x3e: {  	_ =	swait.ge [sflag:s29], $0x4000  }
0x3f: {  	[sflag:s29] =	ssyncset.done $0x0  }
0x40: {  	[sflag:s29] =	ssyncadd.s32 $0xFFFFC000  }
0x41: {  	_ =	swait.ge [sflag:s30], $0x2400  }
0x42: {  	[sflag:s30] =	ssyncset.done $0x0  }
0x43: {  	s4 =	simm.s32 @!p0 $0xC;
	[sflag:s30] =	ssyncadd.s32 $0xFFFFDC00  }
0x44: {  	[hbm4b:s18+s2] =	stream.linear.scatter [tilespmem:s17], [sflag:$0x9], $0x6400, $0x38;
	[tilespmem:$0x1C200] =	vst v63  }
0x45: {  	_ =	swait.ge @!p0 [sflag:s4], $0x6400  }
0x46: {  	[sflag:s4] =	ssyncset.done @!p0 $0x0  }
0x47: {  	s20 =	simm.s32 @!p0 $0x15E00;
	s19 =	simm.s32 @!p0 $0x258;
	[sflag:s4] =	ssyncadd.s32 @!p0 $0xFFFF9C00  }
0x48: {  	[tilespmem:s20], [sflag:$0xA] =	stream.indirect.gather @!p0 [hbm4b:s3+s16], $0x80, s19, s16, $0xb8;
	[tilespmem:$0x1C200] =	vst v63  }
0x49: {  	s4 =	simm.s32 @!p0 $0x2D8;
	s16 =	simm.s32 @!p0 $0x19E00  }
0x4a: {  	[tilespmem:s16], [sflag:$0xB] =	stream.indirect.gather @!p0 [hbm4b:s3+s6], $0x80, s4, s6, $0xb8;
	[tilespmem:$0x1C200] =	vst v63  }
0x4b: {  	_ =	swait.ge [sflag:s31], $0x4000  }
0x4c: {  	[sflag:s31] =	ssyncset.done $0x0  }
0x4d: {  	[sflag:s31] =	ssyncadd.s32 $0xFFFFC000  }
0x4e: {  	_ =	swait.ge [sflag:s1], $0x2400  }
0x4f: {  	p1 =	por $0x0, $0x0;
	[sflag:s1] =	ssyncset.done $0x0  }
0x50: {  	s23 =	sadd.s32 $0xC80, s18;
	s6 =	simm.s32 @!p1 $0x3;
	[sflag:s1] =	ssyncadd.s32 $0xFFFFDC00  }
0x51: {  	[hbm4b:s23+s2] =	stream.linear.scatter [tilespmem:s21], [sflag:$0xC], $0x6400, $0x38;
	[tilespmem:$0x1C200] =	vst v63  }
0x52: {  	s22 =	simm.s32 @!p1 $0x3A0;
	s19 =	simm.s32 @!p1 $0x3200;
	_ =	swait.ge @!p1 [sflag:s6], $0x6400  }
0x53: {  	s4 =	simm.s32 @!p1 $0x320;
	s16 =	simm.s32 @!p1 $0x80;
	[sflag:s6] =	ssyncset.done @!p1 $0x0  }
0x54: {  	s23 =	simm.s32 @!p1 $0x48;
	[sflag:s6] =	ssyncadd.s32 @!p1 $0xFFFF9C00;
	s6 =	smov.u32 s18  }
0x55: {  	[tilespmem:s19], [sflag:$0x1] =	stream.indirect.gather @!p1 [hbm4b:s3+s16], $0x80, s4, s16, $0xb8;
	[tilespmem:$0x1C200] =	vst v63  }
0x56: {  	s16 =	simm.s32 $0xC80;
	s4 =	simm.s32 @!p1 $0x7200;
	s19 =	simm.s32 $0x3  }
.LBB2_2:
0x57: {  	s6 =	sadd.s32 $0x3200, s6  }
0x58: {  	s19 =	sadd.s32 $0x4, s19;
	s20 =	smov.u32 s16;
	s16 =	sadd.s32 $0xC80, s16  }
0x59: {  	[tilespmem:s4], [sflag:$0x2] =	stream.indirect.gather @!p1 [hbm4b:s3+s23], $0x80, s22, s23, $0xb8;
	[tilespmem:$0x1C200] =	vst v63  }
0x5a: {  	p0 =	sne.s32 s16, $0xC800;
	_ =	swait.ge [sflag:s24], $0x4000  }
0x5b: {  	[sflag:s24] =	ssyncset.done $0x0  }
0x5c: {  	[sflag:s24] =	ssyncadd.s32 $0xFFFFC000  }
0x5d: {  	_ =	swait.ge [sflag:s25], $0x2400  }
0x5e: {  	s4 =	sadd.s32 $0xFFFFFFF9, s19;
	[sflag:s25] =	ssyncset.done $0x0  }
0x5f: {  	s22 =	sadd.s32 $0xFFFFE700, s6;
	p1 =	sgt.u32 s4, $0x3B;
	[sflag:s25] =	ssyncadd.s32 $0xFFFFDC00  }
0x60: {  	[hbm4b:s22+s2] =	stream.linear.scatter [tilespmem:s9], [sflag:$0x3], $0x6400, $0x38;
	[tilespmem:$0x1C200] =	vst v63  }
0x61: {  	s4 =	simm.s32 @!p1 $0x6;
	s22 =	sshra.s32 @!p1 s20, $0x2  }
0x62: {  	s23 =	sadd.s32 @!p1 $0xC8, s22;
	s22 =	sadd.s32 @!p1 $0x148, s22;
	_ =	swait.ge @!p1 [sflag:s4], $0x6400  }
0x63: {  	s5 =	simm.s32 @!p1 $0x80;
	s7 =	simm.s32 @!p1 $0x9600;
	[sflag:s4] =	ssyncset.done @!p1 $0x0  }
0x64: {  	s0 =	simm.s32 @!p1 $0xD600;
	[sflag:s4] =	ssyncadd.s32 @!p1 $0xFFFF9C00;
	s4 =	simm.s32 @!p1 $0x48  }
0x65: {  	[tilespmem:s7], [sflag:$0x4] =	stream.indirect.gather @!p1 [hbm4b:s3+s5], $0x80, s23, s5, $0xb8;
	[tilespmem:$0x1C200] =	vst v63  }
0x66: {  	_ = 	snop  }
0x67: {  	[tilespmem:s0], [sflag:$0x5] =	stream.indirect.gather @!p1 [hbm4b:s3+s4], $0x80, s22, s4, $0xb8;
	[tilespmem:$0x1C200] =	vst v63  }
0x68: {  	_ =	swait.ge [sflag:s26], $0x4000  }
0x69: {  	[sflag:s26] =	ssyncset.done $0x0  }
0x6a: {  	[sflag:s26] =	ssyncadd.s32 $0xFFFFC000  }
0x6b: {  	_ =	swait.ge [sflag:s28], $0x2400  }
0x6c: {  	s0 =	sadd.s32 $0xFFFFF380, s6;
	p1 =	seq.s32 s20, $0x0;
	[sflag:s28] =	ssyncset.done $0x0  }
0x6d: {  	s4 =	simm.s32 @!p1 $0x9;
	s5 =	sshra.s32 @!p1 s20, $0x2;
	[sflag:s28] =	ssyncadd.s32 $0xFFFFDC00  }
0x6e: {  	[hbm4b:s0+s2] =	stream.linear.scatter [tilespmem:s13], [sflag:$0x6], $0x6400, $0x38;
	[tilespmem:$0x1C200] =	vst v63  }
0x6f: {  	s7 =	sadd.s32 @!p1 $0x210, s5;
	s0 =	sadd.s32 @!p1 $0x190, s5;
	_ =	swait.ge @!p1 [sflag:s4], $0x6400  }
0x70: {  	s22 =	simm.s32 @!p1 $0x80;
	s23 =	simm.s32 @!p1 $0xFA00;
	[sflag:s4] =	ssyncset.done @!p1 $0x0  }
0x71: {  	s11 =	simm.s32 @!p1 $0x13A00;
	[sflag:s4] =	ssyncadd.s32 @!p1 $0xFFFF9C00;
	s4 =	simm.s32 @!p1 $0x48  }
0x72: {  	[tilespmem:s23], [sflag:$0x7] =	stream.indirect.gather @!p1 [hbm4b:s3+s22], $0x80, s0, s22, $0xb8;
	[tilespmem:$0x1C200] =	vst v63  }
0x73: {  	s0 =	sadd.s32 @!p1 $0x258, s5;
	s5 =	sadd.s32 @!p1 $0x2D8, s5  }
0x74: {  	[tilespmem:s11], [sflag:$0x8] =	stream.indirect.gather @!p1 [hbm4b:s3+s4], $0x80, s7, s4, $0xb8;
	[tilespmem:$0x1C200] =	vst v63  }
0x75: {  	_ =	swait.ge [sflag:s29], $0x4000  }
0x76: {  	[sflag:s29] =	ssyncset.done $0x0  }
0x77: {  	[sflag:s29] =	ssyncadd.s32 $0xFFFFC000  }
0x78: {  	_ =	swait.ge [sflag:s30], $0x2400  }
0x79: {  	[sflag:s30] =	ssyncset.done $0x0  }
0x7a: {  	s7 =	simm.s32 @!p1 $0xC;
	[sflag:s30] =	ssyncadd.s32 $0xFFFFDC00  }
0x7b: {  	[hbm4b:s6+s2] =	stream.linear.scatter [tilespmem:s17], [sflag:$0x9], $0x6400, $0x38;
	[tilespmem:$0x1C200] =	vst v63  }
0x7c: {  	_ =	swait.ge @!p1 [sflag:s7], $0x6400  }
0x7d: {  	s11 =	simm.s32 @!p1 $0x15E00;
	[sflag:s7] =	ssyncset.done @!p1 $0x0  }
0x7e: {  	[sflag:s7] =	ssyncadd.s32 @!p1 $0xFFFF9C00;
	s7 =	simm.s32 @!p1 $0x19E00  }
0x7f: {  	[tilespmem:s11], [sflag:$0xA] =	stream.indirect.gather @!p1 [hbm4b:s3+s22], $0x80, s0, s22, $0xb8;
	[tilespmem:$0x1C200] =	vst v63  }
0x80: {  	_ = 	snop  }
0x81: {  	[tilespmem:s7], [sflag:$0xB] =	stream.indirect.gather @!p1 [hbm4b:s3+s4], $0x80, s5, s4, $0xb8;
	[tilespmem:$0x1C200] =	vst v63  }
0x82: {  	_ =	swait.ge [sflag:s31], $0x4000  }
0x83: {  	[sflag:s31] =	ssyncset.done $0x0  }
0x84: {  	[sflag:s31] =	ssyncadd.s32 $0xFFFFC000  }
0x85: {  	_ =	swait.ge [sflag:s1], $0x2400  }
0x86: {  	s0 =	sadd.s32 $0xC80, s6;
	p1 =	sgt.u32 s19, $0x3E;
	[sflag:s1] =	ssyncset.done $0x0  }
0x87: {  	s4 =	simm.s32 @!p1 $0x3;
	s5 =	sshra.s32 @!p1 s20, $0x2;
	[sflag:s1] =	ssyncadd.s32 $0xFFFFDC00  }
0x88: {  	[hbm4b:s0+s2] =	stream.linear.scatter [tilespmem:s21], [sflag:$0xC], $0x6400, $0x38;
	[tilespmem:$0x1C200] =	vst v63  }
.Ltmp0:
0x89: {  	_ = 	snop;
	(pc) =	sbr.rel @p0 .LBB2_2-.Ltmp0, $4  }
0x8a: {  	s22 =	sadd.s32 @!p1 $0x3A0, s5;
	s0 =	sadd.s32 @!p1 $0x320, s5;
	_ =	swait.ge @!p1 [sflag:s4], $0x6400  }
0x8b: {  	s7 =	simm.s32 @!p1 $0x3200;
	s5 =	simm.s32 @!p1 $0x80;
	[sflag:s4] =	ssyncset.done @!p1 $0x0  }
0x8c: {  	s23 =	simm.s32 @!p1 $0x48;
	[sflag:s4] =	ssyncadd.s32 @!p1 $0xFFFF9C00;
	s4 =	simm.s32 @!p1 $0x7200  }
0x8d: {  	[tilespmem:s7], [sflag:$0x1] =	stream.indirect.gather @!p1 [hbm4b:s3+s5], $0x80, s0, s5, $0xb8;
	[tilespmem:$0x1C200] =	vst v63  }
0x8e: {  	[tilespmem:s4], [sflag:$0x2] =	stream.indirect.gather @!p1 [hbm4b:s3+s23], $0x80, s22, s23, $0xb8;
	[tilespmem:$0x1C200] =	vst v63  }
0x8f: {  	s0 =	simm.s32 $0x3  }
0x90: {  	_ =	swait.ge [sflag:s0], $0x6400  }
0x91: {  	[sflag:s0] =	ssyncset.done $0x0  }
0x92: {  	s22 =	simm.s32 $0x6;
	[sflag:s0] =	ssyncadd.s32 $0xFFFF9C00  }
0x93: {  	_ =	swait.ge [sflag:s22], $0x6400  }
0x94: {  	[sflag:s22] =	ssyncset.done $0x0  }
0x95: {  	[sflag:s22] =	ssyncadd.s32 $0xFFFF9C00  }
0x96: {  	_ =	swait.ge [sflag:s12], $0x6400  }
0x97: {  	[sflag:s12] =	ssyncset.done $0x0  }
0x98: {  	[sflag:s12] =	ssyncadd.s32 $0xFFFF9C00  }
0x99: {  	_ =	swait.ge [sflag:s14], $0x6400  }
0x9a: {  	s15 =	sadd.s32 $0x1, s15;
	s23 =	rddreg [dreg:$0x4]  }
0x9b: {  	p0 =	sne.s32 s15, s23  }
.Ltmp1:
0x9c: {  	_ = 	snop;
	(pc) =	sbr.rel @p0 .LBB2_1-.Ltmp1, $3  }
0x9d: {  	_ =	sdelay $0x1  }
0x9e: {  	[sflag:s14] =	ssyncset.done $0x0  }
0x9f: {  	[sflag:s14] =	ssyncadd.s32 $0xFFFF9C00  }
0xa0: {  	_ =	sfence.sel $0x180000  }
0xa1: {  	[bflag:$0x0] =	sbarrier.arrive $0xFFFF  }
0xa2: {  	_ =	strace $0x90000047  }
0xa3: {  	s0 =	stileid.u32;
	[bflag:$0x2] =	sbarrier.arrive $0xFFFF  }
0xa4: {  	p0 =	sne.s32 s0, $0x0;
	s0 =	rddreg [dreg:$0x2]  }
0xa5: {  	s0 =	sadd.s32 @!p0 $0x100000, s0  }
0xa6: {  	[sflag:s0] =	ssyncadd.tile.s32 @!p0 $0x1;
	_ =	shalt  }
.Lfunc_end2:
_tile_overlayer_lowered:
.L_overlay_start_2:
0xa7: {  	(tag) =	ssettag $0x2  }
0xa8: {  	s0 =	rddreg [dreg:$0x0];
	s2 =	stileid.u32  }
0xa9: {  	s1 =	rddreg [dreg:$0x1];
	p0 =	sne.s32 s2, $0x0  }
0xaa: {  	s3 =	rddreg [dreg:$0x2];
	[bflag:$0x3] =	sbarrier.arrive $0xFFFF;
	s2 =	simm.s32 @!p0 $0x1C0D  }
0xab: {  	[timem:s3], [sflag:s2] =	dma.local @!p0 [hbm:s0], s1  }
0xac: {  	s0 =	simm.s32 @!p0 $0xD  }
0xad: {  	_ =	swait.ge @!p0 [sflag:s0], s1  }
0xae: {  	s1 =	ssub.s32 @!p0 $0x0, s1;
	[sflag:s0] =	ssyncset.done @!p0 $0x0  }
0xaf: {  	[sflag:s0] =	ssyncadd.s32 @!p0 s1  }
0xb0: {  	[bflag:$0x3] =	sbarrier.arrive $0xFFFF  }
0xb1: {  	_ =	shalt  }

// kernel: sparse-core-data-format-call.cloned.1.call-start
scs
called_computation_lowered:
.L_overlay_start_0:
0x0: {  	s2 =	sld [smem:$0x3FD9]  }
0x1: {  	s3 =	sld [smem:$0x3FFE];
	_ =	sdelay $0x1  }
0x2: {  	s1 =	srdreg.scid  }
0x3: {  	s0 =	sand.u32 $0x1, s1  }
0x4: {  	s18 =	sshll.u32 s0, $0xA;
	s2 =	sadd.s32 s3, s2  }
0x5: {  	s2 =	sadd.s32 s2, s18  }
0x6: {  	[smem:$0x3FBB] =	sst s2  }
0x7: {  	_ = 	snop  }
0x8: {  	s2 =	sld [smem:$0x3FD0];
	(tm) =	ssettm $0x1  }
0x9: {  	s19 =	sld [smem:$0x3FFB];
	_ =	sdelay $0x3  }
0xa: {  	_ =	strace s19  }
0xb: {  	s3 =	sld [smem:$0x3FFC];
	_ =	sdelay $0x3  }
0xc: {  	_ =	strace s3  }
0xd: {  	s3 =	sld [smem:$0x3FFD];
	_ =	sdelay $0x3  }
0xe: {  	_ =	strace s3  }
0xf: {  	_ =	strace $0x8FFFFFFF  }
0x10: {  	s20 =	sld [smem:$0x3FDB];
	_ =	sdelay $0x1  }
0x11: {  	s4 =	simm.s32 $_scs_section_size  }
0x12: {  	s5 =	simm.s32 $_size__tile_overlayer_lowered;
	s6 =	simm.s32 $_tile_overlayer_lowered  }
0x13: {  	s23 =	simm.s32 $0x1BFF;
	s22 =	sshll.u32 s6, $0x1;
	s3 =	sadd.s32 s4, s20  }
0x14: {  	s7 =	simm.s32 $0x0;
	s21 =	sshll.u32 s5, $0x1;
	s5 =	sadd.s32 s22, s3  }
0x15: {  	[timem:s7], [sflag:s23] =	dma.local [hbm:s5], s21  }
0x16: {  	_ =	swait.ge [sflag:s23], s21  }
0x17: {  	s4 =	ssub.s32 $0x0, s21;
	[sflag:s23] =	ssyncset.done $0x0  }
0x18: {  	[sflag:s23] =	ssyncadd.s32 s4;
	_ =	sdelay $0x1  }
0x19: {  	s24 =	simm.s32 $0x1B8B  }
0x1a: {  	_ =	swait.ge [sflag:s24], $0x1  }
0x1b: {  	[sflag:s24] =	ssyncset.done $0x0  }
0x1c: {  	s26 =	simm.s32 $0x1B8E;
	s25 =	sld [smem:$0x3FFE];
	[sflag:s24] =	ssyncadd.s32 $0xFFFFFFFF  }
0x1d: {  	s27 =	simm.s32 $execute0_lowered;
	[smem:$0x3FD2] =	sst s26  }
0x1e: {  	s5 =	sshll.u32 s27, $0x1;
	_ =	strace $0x80000049;
	[dreg:$0x1] =	wrdreg $0xFFFFFFFF  }
0x1f: {  	s28 =	simm.s32 $_size_execute0_lowered;
	s3 =	sadd.s32 s3, s5;
	[dreg:$0x0] =	wrdreg $0x0  }
0x20: {  	s5 =	sshll.u32 s28, $0x1;
	[dreg:$0x2] =	wrdreg s3  }
0x21: {  	[dreg:$0x3] =	wrdreg s5  }
0x22: {  	[dreg:$0x4] =	wrdreg $0xC0  }
0x23: {  	_ =	task [dreg:s7], $0x5FFFF  }
0x24: {  	[dreg:$0x1] =	wrdreg $0xFFFFFFFF  }
0x25: {  	[dreg:$0x0] =	wrdreg $0x60  }
0x26: {  	[dreg:$0x2] =	wrdreg s25  }
0x27: {  	[dreg:$0x3] =	wrdreg s2  }
0x28: {  	[dreg:$0x4] =	wrdreg $0x9  }
0x29: {  	_ =	task.clear_ibuf [dreg:s7], $0x5FFFF;
	_ =	strace $0x90000049  }
0x2a: {  	s29 =	simm.s32 $0x9;
	_ =	strace $0x8000004B  }
0x2b: {  	_ =	swait.ge [sflag:s29], $0x1  }
0x2c: {  	[sflag:s29] =	ssyncadd.s32 $0xFFFFFFFF  }
0x2d: {  	_ =	strace $0x9000004B  }
0x2e: {  	_ =	sfence  }
0x2f: {  	s30 =	sld [smem:$0x0];
	_ =	sdelay $0x2  }
0x30: {  	s31 =	sshll.u32 s1, $0xD;
	s1 =	sshrl.u32 s1, $0x2  }
0x31: {  	s3 =	sand.u32 $0x4000, s31;
	s1 =	sadd.s32 s1, s30  }
0x32: {  	s0 =	sor.u32 s3, s0;
	s1 =	sshll.u32 s1, $0x11  }
0x33: {  	s0 =	sor.u32 s1, s0  }
0x34: {  	s0 =	sadd.s32 $0x8F2B, s0  }
0x35: {  	[sflag:s0] =	ssyncadd.remote.s32 $0x1  }
0x36: {  	_ =	sfence.sel $0xFFFF  }
0x37: {  	[dreg:$0x0] =	wrdreg $0xFFFFFFFF;
	(pc) =	sbr.abs _section_cstart, $3  }
0x38: {  	[dreg:$0x1] =	wrdreg $0xFFFFFFFF  }
0x39: {  	_ =	task.clear_ibuf [dreg:s7], $0x2FFFF;
	_ =	strace $0x9FFFFFFF  }
0x3a: {  	(tm) =	ssettm $0x7FFFFFFF  }
0x3b: {  	_ =	shalt  }
tec
execute0_lowered:
.L_overlay_start_1:
0x0: {  	(tag) =	ssettag $0x1  }
0x1: {  	s0 =	srdreg.scid  }
0x2: {  	s1 =	sshll.u32 s0, $0x4  }
0x3: {  	s0 =	stileid.u32;
	s1 =	sand.u32 $0x10, s1  }
0x4: {  	s1 =	sor.u32 s0, s1  }
0x5: {  	s6 =	rddreg [dreg:$0x0];
	s4 =	simm.s32 $0x1;
	s2 =	sshll.u32 s1, $0x7  }
0x6: {  	s7 =	simm.s32 $0x2;
	s12 =	simm.s32 $0x0;
	s1 =	ssub.s32 $0x1000, s2  }
0x7: {  	s8 =	simm.s32 $0x8000;
	s13 =	simm.s32 $0x0;
	s3 =	sand.u32 $0xF80, s1  }
0x8: {  	s9 =	simm.s32 $0x0;
	s5 =	sshrl.u32 s1, $0xC;
	p0 =	sne.s32 s3, $0x0  }
.Ltmp0:
0x9: {  	s1 =	rddreg [dreg:$0x2];
	s4 =	simm.s32 @!p0 $0x0;
	(pc) =	sbr.rel .LBB1_1-.Ltmp0, $4  }
0xa: {  	s11 =	simm.s32 $0x0;
	s3 =	rddreg [dreg:$0x1];
	s5 =	sadd.s32 s4, s5  }
0xb: {  	_ =	strace $0x8000004A;
	s4 =	simm.s32 $0x1;
	s5 =	smul.u32 $0xC8, s5  }
0xc: {  	s6 =	sadd.s32 $0x1C00, s6;
	s10 =	smov.u32 s2;
	[sflag:s4] =	ssyncpa.u1 $0x0  }
0xd: {  	p0 =	por $0x0, $0x0;
	[sflag:s7] =	ssyncpa.u1 $0x0;
	s7 =	sor.u32 $0x1, s5  }
.LBB1_4:
0xe: {  	s16 =	sshll.u32 s13, $0x3;
	s17 =	sand.u32 $0x78, s13  }
0xf: {  	s30 =	sand.u32 $0x7E00, s13;
	s12 =	sshll.u32 s12, $0xF;
	s16 =	sand.u32 $0xC00, s16  }
0x10: {  	[tilespmem:s15+$0x810 ss:$0x81] =	vst.msk $0xffff, v2;
	s31 =	sand.u32 $0x7, s13;
	s16 =	sor.u32 s17, s16;
	s17 =	sadd.s32 s3, s30  }
0x11: {  	[tilespmem:s15+$0x1020 ss:$0x81] =	vst.msk $0xffff, v0;
	s13 =	sshll.u32 s31, $0x12;
	s12 =	sadd.s32 s12, s17;
	s16 =	sshrl.u32 s16, $0x3  }
0x12: {  	[tilespmem:s15+$0x0 ss:$0x81] =	vst.msk $0xffff, v1;
	s13 =	sor.u32 $0x400, s13;
	s12 =	sadd.s32 s16, s12  }
0x13: {  	[hbm4b:s12+s13] =	stream.strided.scatter [tilespmem:s14], [sflag:$0x2], $0x2000, s8, s13, $0x20;
	[tilespmem:$0x8080] =	vst v63  }
.LBB1_5:
0x14: {  	s14 =	sadd.s32 $0x1, s9  }
0x15: {  	s12 =	sadd.s32 $0x1000, s10;
	s16 =	smov.u32 s10;
	p2 =	sgt.s32 s14, $0xC7  }
0x16: {  	s16 =	smov.u32 @p2 s12  }
0x17: {  	s14 =	simm.s32 @p2 $0x0;
	p2 =	sgt.s32 s16, $0xFFF  }
0x18: {  	s16 =	smov.u32 @p2 s2;
	p2 =	sne.s32 s11, s7  }
.Ltmp1:
0x19: {  	p1 =	slt.u32 s11, $0x2;
	(pc) =	sbr.rel @!p2 .LBB1_6-.Ltmp1, $4  }
0x1a: {  	s15 =	simm.s32 @!p1 $0x2  }
0x1b: {  	s13 =	smov.u32 s10;
	p0 =	por !p0, !p0;
	_ =	swait.ge @!p1 [sflag:s15], $0x2000  }
0x1c: {  	s12 =	smov.u32 s9;
	[sflag:s15] =	ssyncset.done @!p1 $0x0;
	s9 =	smov.u32 s14  }
0x1d: {  	s11 =	sadd.s32 $0x1, s11;
	[sflag:s15] =	ssyncadd.s32 @!p1 $0xFFFFE000;
	s10 =	smov.u32 s16  }
.LBB1_1:
0x1e: {  	p1 =	sge.u32 s11, s5  }
0x1f: {  	s14 =	sand.u32 @!p1 $0x1FFFFFF, s9  }
0x20: {  	s15 =	smulhi.u32 @!p1 $0x147AE15, s14;
	_ =	sdelay $0x1  }
0x21: {  	s15 =	smul.u32 @!p1 $0xC8, s15  }
0x22: {  	s16 =	sxor.u32 @!p1 $0xFFFFFFFF, s11;
	s17 =	smul.u32 @!p1 $0xC80, s10  }
0x23: {  	s31 =	sadd.s32 $0xFFFFFFFF, s11;
	s16 =	sshll.u32 @!p1 s16, $0xD;
	s14 =	ssub.s32 @!p1 s14, s15  }
0x24: {  	s15 =	sand.u32 @!p1 $0x2000, s16;
	s16 =	sadd.s32 @!p1 s6, s17;
	s14 =	sshll.u32 @!p1 s14, $0x4  }
0x25: {  	s17 =	simm.s32 @!p1 $0x6400;
	s14 =	sadd.s32 @!p1 s14, s16;
	s16 =	simm.s32 @!p1 $0x40  }
0x26: {  	[tilespmem:s15], [sflag:$0x1] =	stream.strided.gather @!p1 [hbm4b:s14+s16], $0x2000, s17, s16, $0x38;
	[tilespmem:$0x8080] =	vst v63  }
0x27: {  	p1 =	sge.u32 s31, s5  }
.Ltmp2:
0x28: {  	_ = 	snop;
	(pc) =	sbr.rel @p1 .LBB1_5-.Ltmp2, $1  }
0x29: {  	_ =	sdelay $0x3  }
0x2a: {  	s14 =	simm.s32 $0x1  }
0x2b: {  	_ =	swait.ge [sflag:s4], $0x2000;
	s14 =	simm.s32 @!p0 $0x0  }
0x2c: {  	[sflag:s4] =	ssyncset.done $0x0;
	s15 =	sshll.u32 s14, $0xD  }
0x2d: {  	[sflag:s4] =	ssyncadd.s32 $0xFFFFE000;
	s18 =	sor.u32 $0x20, s15  }
0x2e: {  	s14 =	smul.u32 $0x8100, s14;
	v3 =	vld [tilespmem:s18+$0x10]  }
0x2f: {  	s30 =	sand.u32 $0x1, s11;
	v2 =	vld [tilespmem:s18+$0xFFFFFFF0]  }
0x30: {  	s15 =	smul.u32 $0x8100, s30;
	s14 =	sshrl.u32 s14, $0x2;
	v0 =	vld [tilespmem:s18+$0x0]  }
0x31: {  	v1 =	vld [tilespmem:s18+$0xFFFFFFE0];
	s16 =	sor.u32 $0x4000, s14  }
0x32: {  	s31 =	sshrl.u32 s15, $0x2;
	s15 =	sadd.s32 $0x0, s16  }
0x33: {  	s17 =	simm.s32 $0x4;
	s18 =	sadd.s32 $0x40, s18;
	s14 =	sor.u32 $0x4000, s31;
	[tilespmem:s15+$0x1830 ss:$0x81] =	vst.msk $0xffff, v3  }
.LBB1_3:
0x34: {  	v3 =	vld [tilespmem:s18+$0x10];
	p1 =	sne.s32 s17, $0x1FC;
	[tilespmem:s15+$0x810 ss:$0x81] =	vst.msk $0xffff, v2;
	s19 =	smov.u32 s17;
	s17 =	sadd.s32 $0x4, s17  }
.Ltmp3:
0x35: {  	v2 =	vld [tilespmem:s18+$0xFFFFFFF0];
	[tilespmem:s15+$0x1020 ss:$0x81] =	vst.msk $0xffff, v0;
	(pc) =	sbr.rel @p1 .LBB1_3-.Ltmp3, $4  }
0x36: {  	v0 =	vld [tilespmem:s18+$0x0];
	[tilespmem:s15+$0x0 ss:$0x81] =	vst.msk $0xffff, v1  }
0x37: {  	s15 =	sshra.s32 s19, $0x2;
	v1 =	vld [tilespmem:s18+$0xFFFFFFE0]  }
0x38: {  	s15 =	sadd.s32 s15, s16  }
0x39: {  	s18 =	sadd.s32 $0x40, s18;
	[tilespmem:s15+$0x1830 ss:$0x81] =	vst.msk $0xffff, v3  }
.Ltmp4:
0x3a: {  	_ = 	snop;
	(pc) =	sbr.rel .LBB1_4-.Ltmp4, $1  }
0x3b: {  	_ =	sdelay $0x3  }
.LBB1_6:
0x3c: {  	_ =	sfence.sel $0x180000  }
0x3d: {  	s2 =	simm.s32 $0x1;
	[bflag:$0x0] =	sbarrier.arrive $0xFFFF  }
0x3e: {  	s31 =	simm.s32 $0x2;
	[sflag:s2] =	ssyncpa.u1 $0x1  }
0x3f: {  	[sflag:s31] =	ssyncpa.u1 $0x1  }
0x40: {  	p0 =	sne.s32 s0, $0x0;
	_ =	strace $0x9000004A  }
0x41: {  	s0 =	sadd.s32 @!p0 $0x100000, s1;
	[bflag:$0x2] =	sbarrier.arrive $0xFFFF  }
0x42: {  	[sflag:s0] =	ssyncadd.tile.s32 @!p0 $0x1;
	_ =	shalt  }
.Lfunc_end1:
_tile_overlayer_lowered:
.L_overlay_start_2:
0x43: {  	(tag) =	ssettag $0x2  }
0x44: {  	s0 =	rddreg [dreg:$0x0];
	s2 =	stileid.u32  }
0x45: {  	s1 =	rddreg [dreg:$0x1];
	p0 =	sne.s32 s2, $0x0  }
0x46: {  	s3 =	rddreg [dreg:$0x2];
	[bflag:$0x3] =	sbarrier.arrive $0xFFFF;
	s2 =	simm.s32 @!p0 $0x1C01  }
0x47: {  	[timem:s3], [sflag:s2] =	dma.local @!p0 [hbm:s0], s1  }
0x48: {  	s0 =	simm.s32 @!p0 $0x1  }
0x49: {  	_ =	swait.ge @!p0 [sflag:s0], s1  }
0x4a: {  	s1 =	ssub.s32 @!p0 $0x0, s1;
	[sflag:s0] =	ssyncset.done @!p0 $0x0  }
0x4b: {  	[sflag:s0] =	ssyncadd.s32 @!p0 s1  }
0x4c: {  	[bflag:$0x3] =	sbarrier.arrive $0xFFFF  }
0x4d: {  	_ =	shalt  }

</sc_bundles>
